<compile_context>
chip_gen: v7x
topology: tpu7x:2x2x1
jax: 0.10.2.dev20260603
libtpu: 0.0.44.dev20260713+nightly
codegen_flags: <defaults>
</compile_context>

<pallas_src>
import functools

import jax
import jax.numpy as jnp
from jax import lax
from jax.experimental import pallas as pl
from jax.experimental.pallas import tpu as pltpu
from jax.experimental.pallas import tpu_sc as plsc

N = 10000
D = 128
E = 320000

NC = 2
NS = 16
NW = NC * NS
CH = 128

E_TOT = E + N
NCH = -(-E_TOT // (NW * CH))
NCH += NCH % 2
EPW = NCH * CH
E_PAD = NW * EPW

NP = 10112
RPS = NP // NS

NCH0 = 132
NCH1 = 2 * NCH - NCH0
TOTCH = NS * (NCH0 + NCH1)

_MESH = plsc.VectorSubcoreMesh(
    core_axis_name="c", subcore_axis_name="s", num_cores=NC, num_subcores=NS
)



@functools.partial(
    pl.kernel,
    out_type=jax.ShapeDtypeStruct((NC, NP, D), jnp.float32),
    mesh=_MESH,
    scratch_types=[
        pltpu.VMEM((NCH, CH), jnp.int32),
        pltpu.VMEM((CH, D), jnp.float32),
        pltpu.VMEM_SHARED((NP, D), jnp.float32),
    ],
)
def _deg_kernel(dst_hbm, ones_hbm, zeros_hbm, out_hbm, dst_v, ones_v, acc_sh):
    c = lax.axis_index("c")
    s = lax.axis_index("s")
    w = s * NC + c
    pltpu.sync_copy(dst_hbm.at[w], dst_v)
    pltpu.sync_copy(ones_hbm, ones_v)
    pltpu.sync_copy(
        zeros_hbm.at[pl.ds(s * RPS, RPS)], acc_sh.at[pl.ds(s * RPS, RPS)]
    )
    plsc.subcore_barrier()

    def chunk(j, carry):
        pltpu.sync_copy(ones_v, acc_sh.at[dst_v.at[j]], add=True)
        return carry

    lax.fori_loop(0, NCH, chunk, 0)
    plsc.subcore_barrier()
    pltpu.sync_copy(
        acc_sh.at[pl.ds(s * RPS, RPS)], out_hbm.at[c, pl.ds(s * RPS, RPS)]
    )


@functools.partial(
    pl.kernel,
    out_type=jax.ShapeDtypeStruct((NC, NP, D), jnp.float32),
    mesh=_MESH,
    scratch_types=[
        pltpu.VMEM((CH,), jnp.int32),
        pltpu.VMEM((CH,), jnp.int32),
        pltpu.VMEM((CH,), jnp.int32),
        pltpu.VMEM((CH,), jnp.int32),
        pltpu.VMEM((CH, D), jnp.float32),
        pltpu.VMEM((CH, D), jnp.float32),
        pltpu.VMEM_SHARED((NP, D), jnp.float32),
        pltpu.SemaphoreType.DMA,
        pltpu.SemaphoreType.DMA,
        pltpu.SemaphoreType.DMA,
        pltpu.SemaphoreType.DMA,
        pltpu.SemaphoreType.DMA,
        pltpu.SemaphoreType.DMA,
    ],
)
def _scatter_kernel(
    h_hbm, src_hbm, dst_hbm, zeros_hbm, out_hbm,
    s0, s1, d0, d1, buf0, buf1, acc_sh,
    sis0, sis1, sid0, sid1, semg0, semg1,
):
    c = lax.axis_index("c")
    s = lax.axis_index("s")
    pltpu.sync_copy(
        zeros_hbm.at[pl.ds(s * RPS, RPS)], acc_sh.at[pl.ds(s * RPS, RPS)]
    )

    def run(base, nch):
        pltpu.async_copy(src_hbm.at[base], s0, sis0)
        pltpu.async_copy(dst_hbm.at[base], d0, sid0)
        pltpu.async_copy(src_hbm.at[base + 1], s1, sis1)
        pltpu.async_copy(dst_hbm.at[base + 1], d1, sid1)
        plsc.subcore_barrier()

        def chunk_pair(k, carry):
            j0 = base + 2 * k
            pltpu.make_async_copy(src_hbm.at[0], s0, sis0).wait()
            pltpu.async_copy(h_hbm.at[s0], buf0, semg0)
            pltpu.make_async_copy(src_hbm.at[0], s1, sis1).wait()
            pltpu.async_copy(h_hbm.at[s1], buf1, semg1)

            pltpu.make_async_copy(h_hbm.at[pl.ds(0, CH)], buf0, semg0).wait()
            pltpu.make_async_copy(dst_hbm.at[0], d0, sid0).wait()
            pltpu.sync_copy(buf0, acc_sh.at[d0], add=True)

            @pl.when(k < nch // 2 - 1)
            def _():
                pltpu.async_copy(src_hbm.at[j0 + 2], s0, sis0)
                pltpu.async_copy(dst_hbm.at[j0 + 2], d0, sid0)

            pltpu.make_async_copy(h_hbm.at[pl.ds(0, CH)], buf1, semg1).wait()
            pltpu.make_async_copy(dst_hbm.at[0], d1, sid1).wait()
            pltpu.sync_copy(buf1, acc_sh.at[d1], add=True)

            @pl.when(k < nch // 2 - 1)
            def _():
                pltpu.async_copy(src_hbm.at[j0 + 3], s1, sis1)
                pltpu.async_copy(dst_hbm.at[j0 + 3], d1, sid1)

            return carry

        lax.fori_loop(0, nch // 2, chunk_pair, 0)

    @pl.when(c == 0)
    def _():
        run(s * NCH0, NCH0)

    @pl.when(c == 1)
    def _():
        run(NS * NCH0 + s * NCH1, NCH1)

    plsc.subcore_barrier()
    pltpu.sync_copy(
        acc_sh.at[pl.ds(s * RPS, RPS)], out_hbm.at[c, pl.ds(s * RPS, RPS)]
    )



def _dinv_col(degp):
    deg = degp[0] + degp[1]
    return lax.rsqrt(jnp.maximum(deg, 1.0))


def _tc_a_body(degp_ref, xp_ref, w_ref, o_ref):
    h = jnp.dot(xp_ref[...], w_ref[...], preferred_element_type=jnp.float32)
    o_ref[...] = h * _dinv_col(degp_ref[...])


def _tc_b_body(degp_ref, accp_ref, b_ref, w_ref, o_ref):
    dinv = _dinv_col(degp_ref[...])
    g = accp_ref[0] + accp_ref[1]
    z = jnp.maximum(g * dinv + b_ref[...][None, :], 0.0)
    rows = lax.broadcasted_iota(jnp.int32, (NP, D), 0)
    z = jnp.where(rows < N, z, 0.0)
    h = jnp.dot(z, w_ref[...], preferred_element_type=jnp.float32)
    o_ref[...] = h * dinv


def _tc_c_body(degp_ref, accp_ref, b_ref, o_ref):
    dinv = _dinv_col(degp_ref[...])
    g = accp_ref[0] + accp_ref[1]
    o_ref[...] = (g * dinv)[:N] + b_ref[...][None, :]


_tc_a = pl.pallas_call(
    _tc_a_body, out_shape=jax.ShapeDtypeStruct((NP, D), jnp.float32)
)
_tc_b = pl.pallas_call(
    _tc_b_body, out_shape=jax.ShapeDtypeStruct((NP, D), jnp.float32)
)
_tc_c = pl.pallas_call(
    _tc_c_body, out_shape=jax.ShapeDtypeStruct((N, D), jnp.float32)
)



def kernel(x, edge_index, W1, b1, W2, b2):
    loops = jnp.arange(N, dtype=jnp.int32)
    pad = E_PAD - E_TOT
    src_flat = jnp.concatenate(
        [edge_index[0], loops, jnp.full((pad,), N, jnp.int32)]
    )
    dst_flat = jnp.concatenate(
        [edge_index[1], loops, jnp.full((pad,), N, jnp.int32)]
    )
    dst = dst_flat.reshape(NW, NCH, CH)
    src2 = src_flat.reshape(TOTCH, CH)
    dst2 = dst_flat.reshape(TOTCH, CH)

    onesD = jnp.ones((CH, D), jnp.float32)
    zerosD = jnp.zeros((NP, D), jnp.float32)
    xp = jnp.concatenate([x, jnp.zeros((NP - N, D), jnp.float32)], axis=0)

    degp = _deg_kernel(dst, onesD, zerosD)
    hs1 = _tc_a(degp, xp, W1)
    acc1 = _scatter_kernel(hs1, src2, dst2, zerosD)
    hs2 = _tc_b(degp, acc1, b1, W2)
    acc2 = _scatter_kernel(hs2, src2, dst2, zerosD)
    return _tc_c(degp, acc2, b2)

# --- scband reference (transcript-rebuilt; emitter-appended) ---
"""Pipeline reference for scband-gcn-3075196584115 (READ-ONLY COPY).

The authoritative reference and input builder live on the scoring server;
editing this copy changes nothing except your own understanding.
"""

import jax, jax.numpy as jnp
import numpy as np

N = 10000
E = 320000
D_IN = 128
D_HID = 128
D_OUT = 128


def gcn_conv(x, edge_index, W, b):
    n = x.shape[0]
    loops = jnp.arange(n, dtype=edge_index.dtype)
    src = jnp.concatenate([edge_index[0], loops])
    dst = jnp.concatenate([edge_index[1], loops])
    deg = jnp.zeros((n,), x.dtype).at[dst].add(1.0)
    dinv = jax.lax.rsqrt(jnp.maximum(deg, 1.0))
    norm = dinv[src] * dinv[dst]
    h = x @ W
    msg = h[src] * norm[:, None]
    out = jnp.zeros((n, W.shape[1]), x.dtype).at[dst].add(msg)
    return out + b


def setup_inputs(seed: int = 0) -> dict:
    key = jax.random.key(seed)
    k1, k2, k3, k4, k5, k6 = jax.random.split(key, 6)
    x = jax.random.normal(k1, (N, D_IN), dtype=jnp.float32)
    edge_index = jax.random.randint(k2, (2, E), 0, N, dtype=jnp.int32)
    W1 = jax.random.normal(k3, (D_IN, D_HID), dtype=jnp.float32) * (1.0 / np.sqrt(D_IN))
    b1 = jnp.zeros((D_HID,), dtype=jnp.float32)
    W2 = jax.random.normal(k4, (D_HID, D_OUT), dtype=jnp.float32) * (1.0 / np.sqrt(D_HID))
    b2 = jnp.zeros((D_OUT,), dtype=jnp.float32)
    return {"x": x, "edge_index": edge_index, "W1": W1, "b1": b1, "W2": W2, "b2": b2}


def reference(x, edge_index, W1, b1, W2, b2):
    h = gcn_conv(x, edge_index, W1, b1)
    h = jax.nn.relu(h)
    z = gcn_conv(h, edge_index, W2, b2)
    return z

if __name__ == "__main__":
    import jax
    _d = setup_inputs()
    print(jax.jit(kernel)(*tuple(_d.values())))

</pallas_src>

<mosaic_0001>
#map = affine_map<(d0, d1) -> (0, 0, 0)>
#map1 = affine_map<(d0, d1) -> (0, 0)>
module attributes {stable_mosaic.version = 14 : i64} {
  func.func @_deg_kernel(%arg0: i32, %arg1: i32, %arg2: memref<32x82x128xi32, #tpu.memory_space<hbm>>, %arg3: memref<128x128xf32, #tpu.memory_space<hbm>>, %arg4: memref<10112x128xf32, #tpu.memory_space<hbm>>, %arg5: memref<2x10112x128xf32, #tpu.memory_space<hbm>>, %arg6: memref<82x128xi32, #tpu.memory_space<vmem>>, %arg7: memref<128x128xf32, #tpu.memory_space<vmem>>, %arg8: memref<10112x128xf32, #tpu.memory_space<vmem_shared>>) attributes {dimension_semantics = [#tpu.dimension_semantics<core_parallel>, #tpu.dimension_semantics<subcore_parallel>], iteration_bounds = array<i64: 2, 16>, scalar_prefetch = 0 : i64, scratch_operands = 3 : i64, tpu.core_type = #tpu.core_type<sc_vector_subcore>, window_params = [{transform_indices = #map}, {transform_indices = #map1}, {transform_indices = #map1}, {transform_indices = #map}]} {
    %mul3A = arith.constant 2 : i32
    %mul3A_0 = arith.muli %arg1, %mul3A : i32
    %add3A = arith.addi %mul3A_0, %arg0 : i32
    "tpu.region"() ({
      %run_scoped3A = tpu.sem_alloc : memref<!tpu.dma_semaphore, #tpu.memory_space<semaphore_mem>>
      %dma_start3A = arith.constant 0 : i32
      %dma_start3A_15 = arith.constant 0 : i32
      %dma_start3A_16 = tpu.memref_slice %arg2[%add3A, %dma_start3A, %dma_start3A_15] : memref<32x82x128xi32, #tpu.memory_space<hbm>> -> memref<1x82x128xi32, #tpu.memory_space<hbm>>
      %dma_start3A_17 = tpu.memref_squeeze %dma_start3A_16 : memref<1x82x128xi32, #tpu.memory_space<hbm>> -> memref<82x128xi32, #tpu.memory_space<hbm>>
      %dma_start3A_18 = arith.constant 0 : i32
      %dma_start3A_19 = arith.constant 0 : i32
      %dma_start3A_20 = tpu.memref_slice %arg2[%add3A, %dma_start3A_18, %dma_start3A_19] : memref<32x82x128xi32, #tpu.memory_space<hbm>> -> memref<1x82x128xi32, #tpu.memory_space<hbm>>
      %dma_start3A_21 = tpu.memref_squeeze %dma_start3A_20 : memref<1x82x128xi32, #tpu.memory_space<hbm>> -> memref<82x128xi32, #tpu.memory_space<hbm>>
      tpu.enqueue_dma source(%dma_start3A_21 : memref<82x128xi32, #tpu.memory_space<hbm>>) target(%arg6 : memref<82x128xi32, #tpu.memory_space<vmem>>) target_semaphore(%run_scoped3A : memref<!tpu.dma_semaphore, #tpu.memory_space<semaphore_mem>>)
      %dma_wait3A = arith.constant 0 : i32
      %dma_wait3A_22 = arith.constant 0 : i32
      %dma_wait3A_23 = tpu.memref_slice %arg2[%add3A, %dma_wait3A, %dma_wait3A_22] : memref<32x82x128xi32, #tpu.memory_space<hbm>> -> memref<1x82x128xi32, #tpu.memory_space<hbm>>
      %dma_wait3A_24 = tpu.memref_squeeze %dma_wait3A_23 : memref<1x82x128xi32, #tpu.memory_space<hbm>> -> memref<82x128xi32, #tpu.memory_space<hbm>>
      %dma_wait3A_25 = arith.constant 0 : i32
      %dma_wait3A_26 = arith.constant 0 : i32
      %dma_wait3A_27 = tpu.memref_slice %arg2[%add3A, %dma_wait3A_25, %dma_wait3A_26] : memref<32x82x128xi32, #tpu.memory_space<hbm>> -> memref<1x82x128xi32, #tpu.memory_space<hbm>>
      %dma_wait3A_28 = tpu.memref_squeeze %dma_wait3A_27 : memref<1x82x128xi32, #tpu.memory_space<hbm>> -> memref<82x128xi32, #tpu.memory_space<hbm>>
      tpu.wait_dma2 semaphore(%run_scoped3A : memref<!tpu.dma_semaphore, #tpu.memory_space<semaphore_mem>>) src(%dma_wait3A_28 : memref<82x128xi32, #tpu.memory_space<hbm>>) dst(%arg6 : memref<82x128xi32, #tpu.memory_space<vmem>>)
      tpu.yield
    }) : () -> ()
    "tpu.region"() ({
      %run_scoped3A = tpu.sem_alloc : memref<!tpu.dma_semaphore, #tpu.memory_space<semaphore_mem>>
      tpu.enqueue_dma source(%arg3 : memref<128x128xf32, #tpu.memory_space<hbm>>) target(%arg7 : memref<128x128xf32, #tpu.memory_space<vmem>>) target_semaphore(%run_scoped3A : memref<!tpu.dma_semaphore, #tpu.memory_space<semaphore_mem>>)
      tpu.wait_dma2 semaphore(%run_scoped3A : memref<!tpu.dma_semaphore, #tpu.memory_space<semaphore_mem>>) src(%arg3 : memref<128x128xf32, #tpu.memory_space<hbm>>) dst(%arg7 : memref<128x128xf32, #tpu.memory_space<vmem>>)
      tpu.yield
    }) : () -> ()
    %mul3A_1 = arith.constant 632 : i32
    %mul3A_2 = arith.muli %arg1, %mul3A_1 : i32
    %mul3A_3 = arith.constant 632 : i32
    %mul3A_4 = arith.muli %arg1, %mul3A_3 : i32
    "tpu.region"() ({
      %run_scoped3A = tpu.sem_alloc : memref<!tpu.dma_semaphore, #tpu.memory_space<semaphore_mem>>
      %dma_start3A = arith.constant 0 : i32
      %dma_start3A_15 = tpu.memref_slice %arg8[%mul3A_4, %dma_start3A] : memref<10112x128xf32, #tpu.memory_space<vmem_shared>> -> memref<632x128xf32, #tpu.memory_space<vmem_shared>>
      %dma_start3A_16 = arith.constant 0 : i32
      %dma_start3A_17 = tpu.memref_slice %arg4[%mul3A_2, %dma_start3A_16] : memref<10112x128xf32, #tpu.memory_space<hbm>> -> memref<632x128xf32, #tpu.memory_space<hbm>>
      tpu.enqueue_dma source(%dma_start3A_17 : memref<632x128xf32, #tpu.memory_space<hbm>>) target(%dma_start3A_15 : memref<632x128xf32, #tpu.memory_space<vmem_shared>>) target_semaphore(%run_scoped3A : memref<!tpu.dma_semaphore, #tpu.memory_space<semaphore_mem>>)
      %dma_wait3A = arith.constant 0 : i32
      %dma_wait3A_18 = tpu.memref_slice %arg8[%mul3A_4, %dma_wait3A] : memref<10112x128xf32, #tpu.memory_space<vmem_shared>> -> memref<632x128xf32, #tpu.memory_space<vmem_shared>>
      %dma_wait3A_19 = arith.constant 0 : i32
      %dma_wait3A_20 = tpu.memref_slice %arg4[%mul3A_2, %dma_wait3A_19] : memref<10112x128xf32, #tpu.memory_space<hbm>> -> memref<632x128xf32, #tpu.memory_space<hbm>>
      tpu.wait_dma2 semaphore(%run_scoped3A : memref<!tpu.dma_semaphore, #tpu.memory_space<semaphore_mem>>) src(%dma_wait3A_20 : memref<632x128xf32, #tpu.memory_space<hbm>>) dst(%dma_wait3A_18 : memref<632x128xf32, #tpu.memory_space<vmem_shared>>)
      tpu.yield
    }) : () -> ()
    %barrier3A = arith.constant 0 : index
    tpu.barrier barrier_id(%barrier3A)
    %scan3A = arith.constant 0 : i32
    %scan3A_5 = arith.constant 0 : i32
    %scan3A_6 = arith.constant 82 : i32
    %scan3A_7 = arith.addi %scan3A_5, %scan3A_6 : i32
    %scan3A_8 = arith.constant 1 : i32
    scf.for %scan3A_15 = %scan3A_5 to %scan3A_7 step %scan3A_8  : i32 {
      "tpu.region"() ({
        %run_scoped3A = tpu.sem_alloc : memref<!tpu.dma_semaphore, #tpu.memory_space<semaphore_mem>>
        %dma_start3A = arith.constant 0 : i32
        %dma_start3A_16 = tpu.memref_slice %arg6[%scan3A_15, %dma_start3A] : memref<82x128xi32, #tpu.memory_space<vmem>> -> memref<1x128xi32, #tpu.memory_space<vmem>>
        %dma_start3A_17 = tpu.memref_squeeze %dma_start3A_16 : memref<1x128xi32, #tpu.memory_space<vmem>> -> memref<128xi32, #tpu.memory_space<vmem>>
        %dma_start3A_18 = arith.constant 0 : i32
        %dma_start3A_19 = arith.constant 0 : i32
        %dma_start3A_20 = tpu.memref_slice %arg8[%dma_start3A_18, %dma_start3A_19] : memref<10112x128xf32, #tpu.memory_space<vmem_shared>> -> memref<10112x128xf32, #tpu.memory_space<vmem_shared>>
        tpu.enqueue_indirect_dma source(%arg7 : memref<128x128xf32, #tpu.memory_space<vmem>>) target(%dma_start3A_20 : memref<10112x128xf32, #tpu.memory_space<vmem_shared>>) offsets(%dma_start3A_17 : memref<128xi32, #tpu.memory_space<vmem>>) semaphore(%run_scoped3A : memref<!tpu.dma_semaphore, #tpu.memory_space<semaphore_mem>>) {add = true}
        %dma_wait3A = arith.constant 0 : i32
        %dma_wait3A_21 = tpu.memref_slice %arg6[%scan3A_15, %dma_wait3A] : memref<82x128xi32, #tpu.memory_space<vmem>> -> memref<1x128xi32, #tpu.memory_space<vmem>>
        %dma_wait3A_22 = tpu.memref_squeeze %dma_wait3A_21 : memref<1x128xi32, #tpu.memory_space<vmem>> -> memref<128xi32, #tpu.memory_space<vmem>>
        %dma_wait3A_23 = arith.constant 0 : i32
        %dma_wait3A_24 = arith.constant 0 : i32
        %dma_wait3A_25 = tpu.memref_slice %arg8[%dma_wait3A_23, %dma_wait3A_24] : memref<10112x128xf32, #tpu.memory_space<vmem_shared>> -> memref<10112x128xf32, #tpu.memory_space<vmem_shared>>
        tpu.wait_indirect_dma semaphore(%run_scoped3A : memref<!tpu.dma_semaphore, #tpu.memory_space<semaphore_mem>>) src(%arg7 : memref<128x128xf32, #tpu.memory_space<vmem>>) dst(%dma_wait3A_25 : memref<10112x128xf32, #tpu.memory_space<vmem_shared>>)
        tpu.yield
      }) : () -> ()
    }
    %scan3A_9 = arith.constant 82 : i32
    %barrier3A_10 = arith.constant 0 : index
    tpu.barrier barrier_id(%barrier3A_10)
    %mul3A_11 = arith.constant 632 : i32
    %mul3A_12 = arith.muli %arg1, %mul3A_11 : i32
    %mul3A_13 = arith.constant 632 : i32
    %mul3A_14 = arith.muli %arg1, %mul3A_13 : i32
    "tpu.region"() ({
      %run_scoped3A = tpu.sem_alloc : memref<!tpu.dma_semaphore, #tpu.memory_space<semaphore_mem>>
      %dma_start3A = arith.constant 0 : i32
      %dma_start3A_15 = tpu.memref_slice %arg5[%arg0, %mul3A_14, %dma_start3A] : memref<2x10112x128xf32, #tpu.memory_space<hbm>> -> memref<1x632x128xf32, #tpu.memory_space<hbm>>
      %dma_start3A_16 = tpu.memref_squeeze %dma_start3A_15 : memref<1x632x128xf32, #tpu.memory_space<hbm>> -> memref<632x128xf32, #tpu.memory_space<hbm>>
      %dma_start3A_17 = arith.constant 0 : i32
      %dma_start3A_18 = tpu.memref_slice %arg8[%mul3A_12, %dma_start3A_17] : memref<10112x128xf32, #tpu.memory_space<vmem_shared>> -> memref<632x128xf32, #tpu.memory_space<vmem_shared>>
      tpu.enqueue_dma source(%dma_start3A_18 : memref<632x128xf32, #tpu.memory_space<vmem_shared>>) target(%dma_start3A_16 : memref<632x128xf32, #tpu.memory_space<hbm>>) target_semaphore(%run_scoped3A : memref<!tpu.dma_semaphore, #tpu.memory_space<semaphore_mem>>)
      %dma_wait3A = arith.constant 0 : i32
      %dma_wait3A_19 = tpu.memref_slice %arg5[%arg0, %mul3A_14, %dma_wait3A] : memref<2x10112x128xf32, #tpu.memory_space<hbm>> -> memref<1x632x128xf32, #tpu.memory_space<hbm>>
      %dma_wait3A_20 = tpu.memref_squeeze %dma_wait3A_19 : memref<1x632x128xf32, #tpu.memory_space<hbm>> -> memref<632x128xf32, #tpu.memory_space<hbm>>
      %dma_wait3A_21 = arith.constant 0 : i32
      %dma_wait3A_22 = tpu.memref_slice %arg8[%mul3A_12, %dma_wait3A_21] : memref<10112x128xf32, #tpu.memory_space<vmem_shared>> -> memref<632x128xf32, #tpu.memory_space<vmem_shared>>
      tpu.wait_dma2 semaphore(%run_scoped3A : memref<!tpu.dma_semaphore, #tpu.memory_space<semaphore_mem>>) src(%dma_wait3A_22 : memref<632x128xf32, #tpu.memory_space<vmem_shared>>) dst(%dma_wait3A_20 : memref<632x128xf32, #tpu.memory_space<hbm>>)
      tpu.yield
    }) : () -> ()
    return
  }
}

#map = affine_map<(d0, d1) -> (0, 0)>
#map1 = affine_map<(d0, d1) -> (0, 0, 0)>
module attributes {stable_mosaic.version = 14 : i64} {
  func.func @_scatter_kernel(%arg0: i32, %arg1: i32, %arg2: memref<10112x128xf32, #tpu.memory_space<hbm>>, %arg3: memref<2624x128xi32, #tpu.memory_space<hbm>>, %arg4: memref<2624x128xi32, #tpu.memory_space<hbm>>, %arg5: memref<10112x128xf32, #tpu.memory_space<hbm>>, %arg6: memref<2x10112x128xf32, #tpu.memory_space<hbm>>, %arg7: memref<128xi32, #tpu.memory_space<vmem>>, %arg8: memref<128xi32, #tpu.memory_space<vmem>>, %arg9: memref<128xi32, #tpu.memory_space<vmem>>, %arg10: memref<128xi32, #tpu.memory_space<vmem>>, %arg11: memref<128x128xf32, #tpu.memory_space<vmem>>, %arg12: memref<128x128xf32, #tpu.memory_space<vmem>>, %arg13: memref<10112x128xf32, #tpu.memory_space<vmem_shared>>, %arg14: memref<!tpu.dma_semaphore, #tpu.memory_space<semaphore_mem>>, %arg15: memref<!tpu.dma_semaphore, #tpu.memory_space<semaphore_mem>>, %arg16: memref<!tpu.dma_semaphore, #tpu.memory_space<semaphore_mem>>, %arg17: memref<!tpu.dma_semaphore, #tpu.memory_space<semaphore_mem>>, %arg18: memref<!tpu.dma_semaphore, #tpu.memory_space<semaphore_mem>>, %arg19: memref<!tpu.dma_semaphore, #tpu.memory_space<semaphore_mem>>) attributes {dimension_semantics = [#tpu.dimension_semantics<core_parallel>, #tpu.dimension_semantics<subcore_parallel>], iteration_bounds = array<i64: 2, 16>, scalar_prefetch = 0 : i64, scratch_operands = 13 : i64, tpu.core_type = #tpu.core_type<sc_vector_subcore>, window_params = [{transform_indices = #map}, {transform_indices = #map}, {transform_indices = #map}, {transform_indices = #map}, {transform_indices = #map1}]} {
    %mul3A = arith.constant 632 : i32
    %mul3A_0 = arith.muli %arg1, %mul3A : i32
    %mul3A_1 = arith.constant 632 : i32
    %mul3A_2 = arith.muli %arg1, %mul3A_1 : i32
    "tpu.region"() ({
      %run_scoped3A = tpu.sem_alloc : memref<!tpu.dma_semaphore, #tpu.memory_space<semaphore_mem>>
      %dma_start3A = arith.constant 0 : i32
      %dma_start3A_14 = tpu.memref_slice %arg13[%mul3A_2, %dma_start3A] : memref<10112x128xf32, #tpu.memory_space<vmem_shared>> -> memref<632x128xf32, #tpu.memory_space<vmem_shared>>
      %dma_start3A_15 = arith.constant 0 : i32
      %dma_start3A_16 = tpu.memref_slice %arg5[%mul3A_0, %dma_start3A_15] : memref<10112x128xf32, #tpu.memory_space<hbm>> -> memref<632x128xf32, #tpu.memory_space<hbm>>
      tpu.enqueue_dma source(%dma_start3A_16 : memref<632x128xf32, #tpu.memory_space<hbm>>) target(%dma_start3A_14 : memref<632x128xf32, #tpu.memory_space<vmem_shared>>) target_semaphore(%run_scoped3A : memref<!tpu.dma_semaphore, #tpu.memory_space<semaphore_mem>>)
      %dma_wait3A = arith.constant 0 : i32
      %dma_wait3A_17 = tpu.memref_slice %arg13[%mul3A_2, %dma_wait3A] : memref<10112x128xf32, #tpu.memory_space<vmem_shared>> -> memref<632x128xf32, #tpu.memory_space<vmem_shared>>
      %dma_wait3A_18 = arith.constant 0 : i32
      %dma_wait3A_19 = tpu.memref_slice %arg5[%mul3A_0, %dma_wait3A_18] : memref<10112x128xf32, #tpu.memory_space<hbm>> -> memref<632x128xf32, #tpu.memory_space<hbm>>
      tpu.wait_dma2 semaphore(%run_scoped3A : memref<!tpu.dma_semaphore, #tpu.memory_space<semaphore_mem>>) src(%dma_wait3A_19 : memref<632x128xf32, #tpu.memory_space<hbm>>) dst(%dma_wait3A_17 : memref<632x128xf32, #tpu.memory_space<vmem_shared>>)
      tpu.yield
    }) : () -> ()
    %eq3A = arith.constant 0 : i32
    %eq3A_3 = arith.cmpi eq, %arg0, %eq3A : i32
    %convert_element_type3A = arith.extui %eq3A_3 : i1 to i32
    %cond3A = arith.constant 0 : i32
    %cond3A_4 = arith.cmpi ne, %convert_element_type3A, %cond3A : i32
    scf.if %cond3A_4 {
      %mul3A_14 = arith.constant 132 : i32
      %mul3A_15 = arith.muli %arg1, %mul3A_14 : i32
      %dma_start3A = arith.constant 0 : i32
      %dma_start3A_16 = tpu.memref_slice %arg3[%mul3A_15, %dma_start3A] : memref<2624x128xi32, #tpu.memory_space<hbm>> -> memref<1x128xi32, #tpu.memory_space<hbm>>
      %dma_start3A_17 = tpu.memref_squeeze %dma_start3A_16 : memref<1x128xi32, #tpu.memory_space<hbm>> -> memref<128xi32, #tpu.memory_space<hbm>>
      %dma_start3A_18 = arith.constant 0 : i32
      %dma_start3A_19 = tpu.memref_slice %arg3[%mul3A_15, %dma_start3A_18] : memref<2624x128xi32, #tpu.memory_space<hbm>> -> memref<1x128xi32, #tpu.memory_space<hbm>>
      %dma_start3A_20 = tpu.memref_squeeze %dma_start3A_19 : memref<1x128xi32, #tpu.memory_space<hbm>> -> memref<128xi32, #tpu.memory_space<hbm>>
      tpu.enqueue_dma source(%dma_start3A_20 : memref<128xi32, #tpu.memory_space<hbm>>) target(%arg7 : memref<128xi32, #tpu.memory_space<vmem>>) target_semaphore(%arg14 : memref<!tpu.dma_semaphore, #tpu.memory_space<semaphore_mem>>)
      %dma_start3A_21 = arith.constant 0 : i32
      %dma_start3A_22 = tpu.memref_slice %arg4[%mul3A_15, %dma_start3A_21] : memref<2624x128xi32, #tpu.memory_space<hbm>> -> memref<1x128xi32, #tpu.memory_space<hbm>>
      %dma_start3A_23 = tpu.memref_squeeze %dma_start3A_22 : memref<1x128xi32, #tpu.memory_space<hbm>> -> memref<128xi32, #tpu.memory_space<hbm>>
      %dma_start3A_24 = arith.constant 0 : i32
      %dma_start3A_25 = tpu.memref_slice %arg4[%mul3A_15, %dma_start3A_24] : memref<2624x128xi32, #tpu.memory_space<hbm>> -> memref<1x128xi32, #tpu.memory_space<hbm>>
      %dma_start3A_26 = tpu.memref_squeeze %dma_start3A_25 : memref<1x128xi32, #tpu.memory_space<hbm>> -> memref<128xi32, #tpu.memory_space<hbm>>
      tpu.enqueue_dma source(%dma_start3A_26 : memref<128xi32, #tpu.memory_space<hbm>>) target(%arg9 : memref<128xi32, #tpu.memory_space<vmem>>) target_semaphore(%arg16 : memref<!tpu.dma_semaphore, #tpu.memory_space<semaphore_mem>>)
      %add3A = arith.constant 1 : i32
      %add3A_27 = arith.addi %mul3A_15, %add3A : i32
      %dma_start3A_28 = arith.constant 0 : i32
      %dma_start3A_29 = tpu.memref_slice %arg3[%add3A_27, %dma_start3A_28] : memref<2624x128xi32, #tpu.memory_space<hbm>> -> memref<1x128xi32, #tpu.memory_space<hbm>>
      %dma_start3A_30 = tpu.memref_squeeze %dma_start3A_29 : memref<1x128xi32, #tpu.memory_space<hbm>> -> memref<128xi32, #tpu.memory_space<hbm>>
      %dma_start3A_31 = arith.constant 0 : i32
      %dma_start3A_32 = tpu.memref_slice %arg3[%add3A_27, %dma_start3A_31] : memref<2624x128xi32, #tpu.memory_space<hbm>> -> memref<1x128xi32, #tpu.memory_space<hbm>>
      %dma_start3A_33 = tpu.memref_squeeze %dma_start3A_32 : memref<1x128xi32, #tpu.memory_space<hbm>> -> memref<128xi32, #tpu.memory_space<hbm>>
      tpu.enqueue_dma source(%dma_start3A_33 : memref<128xi32, #tpu.memory_space<hbm>>) target(%arg8 : memref<128xi32, #tpu.memory_space<vmem>>) target_semaphore(%arg15 : memref<!tpu.dma_semaphore, #tpu.memory_space<semaphore_mem>>)
      %add3A_34 = arith.constant 1 : i32
      %add3A_35 = arith.addi %mul3A_15, %add3A_34 : i32
      %dma_start3A_36 = arith.constant 0 : i32
      %dma_start3A_37 = tpu.memref_slice %arg4[%add3A_35, %dma_start3A_36] : memref<2624x128xi32, #tpu.memory_space<hbm>> -> memref<1x128xi32, #tpu.memory_space<hbm>>
      %dma_start3A_38 = tpu.memref_squeeze %dma_start3A_37 : memref<1x128xi32, #tpu.memory_space<hbm>> -> memref<128xi32, #tpu.memory_space<hbm>>
      %dma_start3A_39 = arith.constant 0 : i32
      %dma_start3A_40 = tpu.memref_slice %arg4[%add3A_35, %dma_start3A_39] : memref<2624x128xi32, #tpu.memory_space<hbm>> -> memref<1x128xi32, #tpu.memory_space<hbm>>
      %dma_start3A_41 = tpu.memref_squeeze %dma_start3A_40 : memref<1x128xi32, #tpu.memory_space<hbm>> -> memref<128xi32, #tpu.memory_space<hbm>>
      tpu.enqueue_dma source(%dma_start3A_41 : memref<128xi32, #tpu.memory_space<hbm>>) target(%arg10 : memref<128xi32, #tpu.memory_space<vmem>>) target_semaphore(%arg17 : memref<!tpu.dma_semaphore, #tpu.memory_space<semaphore_mem>>)
      %barrier3A_42 = arith.constant 0 : index
      tpu.barrier barrier_id(%barrier3A_42)
      %scan3A = arith.constant 0 : i32
      %scan3A_43 = arith.constant 0 : i32
      %scan3A_44 = arith.constant 66 : i32
      %scan3A_45 = arith.addi %scan3A_43, %scan3A_44 : i32
      %scan3A_46 = arith.constant 1 : i32
      scf.for %scan3A_48 = %scan3A_43 to %scan3A_45 step %scan3A_46  : i32 {
        %mul3A_49 = arith.constant 2 : i32
        %mul3A_50 = arith.muli %mul3A_49, %scan3A_48 : i32
        %add3A_51 = arith.addi %mul3A_15, %mul3A_50 : i32
        %dma_wait3A = arith.constant 0 : i32
        %dma_wait3A_52 = arith.constant 0 : i32
        %dma_wait3A_53 = tpu.memref_slice %arg3[%dma_wait3A, %dma_wait3A_52] : memref<2624x128xi32, #tpu.memory_space<hbm>> -> memref<1x128xi32, #tpu.memory_space<hbm>>
        %dma_wait3A_54 = tpu.memref_squeeze %dma_wait3A_53 : memref<1x128xi32, #tpu.memory_space<hbm>> -> memref<128xi32, #tpu.memory_space<hbm>>
        %dma_wait3A_55 = arith.constant 0 : i32
        %dma_wait3A_56 = tpu.memref_slice %arg3[%dma_wait3A, %dma_wait3A_55] : memref<2624x128xi32, #tpu.memory_space<hbm>> -> memref<1x128xi32, #tpu.memory_space<hbm>>
        %dma_wait3A_57 = tpu.memref_squeeze %dma_wait3A_56 : memref<1x128xi32, #tpu.memory_space<hbm>> -> memref<128xi32, #tpu.memory_space<hbm>>
        tpu.wait_dma2 semaphore(%arg14 : memref<!tpu.dma_semaphore, #tpu.memory_space<semaphore_mem>>) src(%dma_wait3A_57 : memref<128xi32, #tpu.memory_space<hbm>>) dst(%arg7 : memref<128xi32, #tpu.memory_space<vmem>>)
        %dma_start3A_58 = arith.constant 0 : i32
        %dma_start3A_59 = arith.constant 0 : i32
        %dma_start3A_60 = tpu.memref_slice %arg2[%dma_start3A_58, %dma_start3A_59] : memref<10112x128xf32, #tpu.memory_space<hbm>> -> memref<10112x128xf32, #tpu.memory_space<hbm>>
        tpu.enqueue_indirect_dma source(%dma_start3A_60 : memref<10112x128xf32, #tpu.memory_space<hbm>>) target(%arg11 : memref<128x128xf32, #tpu.memory_space<vmem>>) offsets(%arg7 : memref<128xi32, #tpu.memory_space<vmem>>) semaphore(%arg18 : memref<!tpu.dma_semaphore, #tpu.memory_space<semaphore_mem>>)
        %dma_wait3A_61 = arith.constant 0 : i32
        %dma_wait3A_62 = arith.constant 0 : i32
        %dma_wait3A_63 = tpu.memref_slice %arg3[%dma_wait3A_61, %dma_wait3A_62] : memref<2624x128xi32, #tpu.memory_space<hbm>> -> memref<1x128xi32, #tpu.memory_space<hbm>>
        %dma_wait3A_64 = tpu.memref_squeeze %dma_wait3A_63 : memref<1x128xi32, #tpu.memory_space<hbm>> -> memref<128xi32, #tpu.memory_space<hbm>>
        %dma_wait3A_65 = arith.constant 0 : i32
        %dma_wait3A_66 = tpu.memref_slice %arg3[%dma_wait3A_61, %dma_wait3A_65] : memref<2624x128xi32, #tpu.memory_space<hbm>> -> memref<1x128xi32, #tpu.memory_space<hbm>>
        %dma_wait3A_67 = tpu.memref_squeeze %dma_wait3A_66 : memref<1x128xi32, #tpu.memory_space<hbm>> -> memref<128xi32, #tpu.memory_space<hbm>>
        tpu.wait_dma2 semaphore(%arg15 : memref<!tpu.dma_semaphore, #tpu.memory_space<semaphore_mem>>) src(%dma_wait3A_67 : memref<128xi32, #tpu.memory_space<hbm>>) dst(%arg8 : memref<128xi32, #tpu.memory_space<vmem>>)
        %dma_start3A_68 = arith.constant 0 : i32
        %dma_start3A_69 = arith.constant 0 : i32
        %dma_start3A_70 = tpu.memref_slice %arg2[%dma_start3A_68, %dma_start3A_69] : memref<10112x128xf32, #tpu.memory_space<hbm>> -> memref<10112x128xf32, #tpu.memory_space<hbm>>
        tpu.enqueue_indirect_dma source(%dma_start3A_70 : memref<10112x128xf32, #tpu.memory_space<hbm>>) target(%arg12 : memref<128x128xf32, #tpu.memory_space<vmem>>) offsets(%arg8 : memref<128xi32, #tpu.memory_space<vmem>>) semaphore(%arg19 : memref<!tpu.dma_semaphore, #tpu.memory_space<semaphore_mem>>)
        %dma_wait3A_71 = arith.constant 0 : i32
        %dma_wait3A_72 = arith.constant 0 : i32
        %dma_wait3A_73 = tpu.memref_slice %arg2[%dma_wait3A_71, %dma_wait3A_72] : memref<10112x128xf32, #tpu.memory_space<hbm>> -> memref<128x128xf32, #tpu.memory_space<hbm>>
        %dma_wait3A_74 = arith.constant 0 : i32
        %dma_wait3A_75 = arith.constant 0 : i32
        %dma_wait3A_76 = tpu.memref_slice %arg2[%dma_wait3A_74, %dma_wait3A_75] : memref<10112x128xf32, #tpu.memory_space<hbm>> -> memref<128x128xf32, #tpu.memory_space<hbm>>
        tpu.wait_dma2 semaphore(%arg18 : memref<!tpu.dma_semaphore, #tpu.memory_space<semaphore_mem>>) src(%dma_wait3A_76 : memref<128x128xf32, #tpu.memory_space<hbm>>) dst(%arg11 : memref<128x128xf32, #tpu.memory_space<vmem>>)
        %dma_wait3A_77 = arith.constant 0 : i32
        %dma_wait3A_78 = arith.constant 0 : i32
        %dma_wait3A_79 = tpu.memref_slice %arg4[%dma_wait3A_77, %dma_wait3A_78] : memref<2624x128xi32, #tpu.memory_space<hbm>> -> memref<1x128xi32, #tpu.memory_space<hbm>>
        %dma_wait3A_80 = tpu.memref_squeeze %dma_wait3A_79 : memref<1x128xi32, #tpu.memory_space<hbm>> -> memref<128xi32, #tpu.memory_space<hbm>>
        %dma_wait3A_81 = arith.constant 0 : i32
        %dma_wait3A_82 = tpu.memref_slice %arg4[%dma_wait3A_77, %dma_wait3A_81] : memref<2624x128xi32, #tpu.memory_space<hbm>> -> memref<1x128xi32, #tpu.memory_space<hbm>>
        %dma_wait3A_83 = tpu.memref_squeeze %dma_wait3A_82 : memref<1x128xi32, #tpu.memory_space<hbm>> -> memref<128xi32, #tpu.memory_space<hbm>>
        tpu.wait_dma2 semaphore(%arg16 : memref<!tpu.dma_semaphore, #tpu.memory_space<semaphore_mem>>) src(%dma_wait3A_83 : memref<128xi32, #tpu.memory_space<hbm>>) dst(%arg9 : memref<128xi32, #tpu.memory_space<vmem>>)
        "tpu.region"() ({
          %run_scoped3A = tpu.sem_alloc : memref<!tpu.dma_semaphore, #tpu.memory_space<semaphore_mem>>
          %dma_start3A_106 = arith.constant 0 : i32
          %dma_start3A_107 = arith.constant 0 : i32
          %dma_start3A_108 = tpu.memref_slice %arg13[%dma_start3A_106, %dma_start3A_107] : memref<10112x128xf32, #tpu.memory_space<vmem_shared>> -> memref<10112x128xf32, #tpu.memory_space<vmem_shared>>
          tpu.enqueue_indirect_dma source(%arg11 : memref<128x128xf32, #tpu.memory_space<vmem>>) target(%dma_start3A_108 : memref<10112x128xf32, #tpu.memory_space<vmem_shared>>) offsets(%arg9 : memref<128xi32, #tpu.memory_space<vmem>>) semaphore(%run_scoped3A : memref<!tpu.dma_semaphore, #tpu.memory_space<semaphore_mem>>) {add = true}
          %dma_wait3A_109 = arith.constant 0 : i32
          %dma_wait3A_110 = arith.constant 0 : i32
          %dma_wait3A_111 = tpu.memref_slice %arg13[%dma_wait3A_109, %dma_wait3A_110] : memref<10112x128xf32, #tpu.memory_space<vmem_shared>> -> memref<10112x128xf32, #tpu.memory_space<vmem_shared>>
          tpu.wait_indirect_dma semaphore(%run_scoped3A : memref<!tpu.dma_semaphore, #tpu.memory_space<semaphore_mem>>) src(%arg11 : memref<128x128xf32, #tpu.memory_space<vmem>>) dst(%dma_wait3A_111 : memref<10112x128xf32, #tpu.memory_space<vmem_shared>>)
          tpu.yield
        }) : () -> ()
        %lt3A = arith.constant 65 : i32
        %lt3A_84 = arith.cmpi slt, %scan3A_48, %lt3A : i32
        %convert_element_type3A_85 = arith.extui %lt3A_84 : i1 to i32
        %cond3A_86 = arith.constant 0 : i32
        %cond3A_87 = arith.cmpi ne, %convert_element_type3A_85, %cond3A_86 : i32
        scf.if %cond3A_87 {
          %add3A_106 = arith.constant 2 : i32
          %add3A_107 = arith.addi %add3A_51, %add3A_106 : i32
          %dma_start3A_108 = arith.constant 0 : i32
          %dma_start3A_109 = tpu.memref_slice %arg3[%add3A_107, %dma_start3A_108] : memref<2624x128xi32, #tpu.memory_space<hbm>> -> memref<1x128xi32, #tpu.memory_space<hbm>>
          %dma_start3A_110 = tpu.memref_squeeze %dma_start3A_109 : memref<1x128xi32, #tpu.memory_space<hbm>> -> memref<128xi32, #tpu.memory_space<hbm>>
          %dma_start3A_111 = arith.constant 0 : i32
          %dma_start3A_112 = tpu.memref_slice %arg3[%add3A_107, %dma_start3A_111] : memref<2624x128xi32, #tpu.memory_space<hbm>> -> memref<1x128xi32, #tpu.memory_space<hbm>>
          %dma_start3A_113 = tpu.memref_squeeze %dma_start3A_112 : memref<1x128xi32, #tpu.memory_space<hbm>> -> memref<128xi32, #tpu.memory_space<hbm>>
          tpu.enqueue_dma source(%dma_start3A_113 : memref<128xi32, #tpu.memory_space<hbm>>) target(%arg7 : memref<128xi32, #tpu.memory_space<vmem>>) target_semaphore(%arg14 : memref<!tpu.dma_semaphore, #tpu.memory_space<semaphore_mem>>)
          %add3A_114 = arith.constant 2 : i32
          %add3A_115 = arith.addi %add3A_51, %add3A_114 : i32
          %dma_start3A_116 = arith.constant 0 : i32
          %dma_start3A_117 = tpu.memref_slice %arg4[%add3A_115, %dma_start3A_116] : memref<2624x128xi32, #tpu.memory_space<hbm>> -> memref<1x128xi32, #tpu.memory_space<hbm>>
          %dma_start3A_118 = tpu.memref_squeeze %dma_start3A_117 : memref<1x128xi32, #tpu.memory_space<hbm>> -> memref<128xi32, #tpu.memory_space<hbm>>
          %dma_start3A_119 = arith.constant 0 : i32
          %dma_start3A_120 = tpu.memref_slice %arg4[%add3A_115, %dma_start3A_119] : memref<2624x128xi32, #tpu.memory_space<hbm>> -> memref<1x128xi32, #tpu.memory_space<hbm>>
          %dma_start3A_121 = tpu.memref_squeeze %dma_start3A_120 : memref<1x128xi32, #tpu.memory_space<hbm>> -> memref<128xi32, #tpu.memory_space<hbm>>
          tpu.enqueue_dma source(%dma_start3A_121 : memref<128xi32, #tpu.memory_space<hbm>>) target(%arg9 : memref<128xi32, #tpu.memory_space<vmem>>) target_semaphore(%arg16 : memref<!tpu.dma_semaphore, #tpu.memory_space<semaphore_mem>>)
        } else {
        }
        %dma_wait3A_88 = arith.constant 0 : i32
        %dma_wait3A_89 = arith.constant 0 : i32
        %dma_wait3A_90 = tpu.memref_slice %arg2[%dma_wait3A_88, %dma_wait3A_89] : memref<10112x128xf32, #tpu.memory_space<hbm>> -> memref<128x128xf32, #tpu.memory_space<hbm>>
        %dma_wait3A_91 = arith.constant 0 : i32
        %dma_wait3A_92 = arith.constant 0 : i32
        %dma_wait3A_93 = tpu.memref_slice %arg2[%dma_wait3A_91, %dma_wait3A_92] : memref<10112x128xf32, #tpu.memory_space<hbm>> -> memref<128x128xf32, #tpu.memory_space<hbm>>
        tpu.wait_dma2 semaphore(%arg19 : memref<!tpu.dma_semaphore, #tpu.memory_space<semaphore_mem>>) src(%dma_wait3A_93 : memref<128x128xf32, #tpu.memory_space<hbm>>) dst(%arg12 : memref<128x128xf32, #tpu.memory_space<vmem>>)
        %dma_wait3A_94 = arith.constant 0 : i32
        %dma_wait3A_95 = arith.constant 0 : i32
        %dma_wait3A_96 = tpu.memref_slice %arg4[%dma_wait3A_94, %dma_wait3A_95] : memref<2624x128xi32, #tpu.memory_space<hbm>> -> memref<1x128xi32, #tpu.memory_space<hbm>>
        %dma_wait3A_97 = tpu.memref_squeeze %dma_wait3A_96 : memref<1x128xi32, #tpu.memory_space<hbm>> -> memref<128xi32, #tpu.memory_space<hbm>>
        %dma_wait3A_98 = arith.constant 0 : i32
        %dma_wait3A_99 = tpu.memref_slice %arg4[%dma_wait3A_94, %dma_wait3A_98] : memref<2624x128xi32, #tpu.memory_space<hbm>> -> memref<1x128xi32, #tpu.memory_space<hbm>>
        %dma_wait3A_100 = tpu.memref_squeeze %dma_wait3A_99 : memref<1x128xi32, #tpu.memory_space<hbm>> -> memref<128xi32, #tpu.memory_space<hbm>>
        tpu.wait_dma2 semaphore(%arg17 : memref<!tpu.dma_semaphore, #tpu.memory_space<semaphore_mem>>) src(%dma_wait3A_100 : memref<128xi32, #tpu.memory_space<hbm>>) dst(%arg10 : memref<128xi32, #tpu.memory_space<vmem>>)
        "tpu.region"() ({
          %run_scoped3A = tpu.sem_alloc : memref<!tpu.dma_semaphore, #tpu.memory_space<semaphore_mem>>
          %dma_start3A_106 = arith.constant 0 : i32
          %dma_start3A_107 = arith.constant 0 : i32
          %dma_start3A_108 = tpu.memref_slice %arg13[%dma_start3A_106, %dma_start3A_107] : memref<10112x128xf32, #tpu.memory_space<vmem_shared>> -> memref<10112x128xf32, #tpu.memory_space<vmem_shared>>
          tpu.enqueue_indirect_dma source(%arg12 : memref<128x128xf32, #tpu.memory_space<vmem>>) target(%dma_start3A_108 : memref<10112x128xf32, #tpu.memory_space<vmem_shared>>) offsets(%arg10 : memref<128xi32, #tpu.memory_space<vmem>>) semaphore(%run_scoped3A : memref<!tpu.dma_semaphore, #tpu.memory_space<semaphore_mem>>) {add = true}
          %dma_wait3A_109 = arith.constant 0 : i32
          %dma_wait3A_110 = arith.constant 0 : i32
          %dma_wait3A_111 = tpu.memref_slice %arg13[%dma_wait3A_109, %dma_wait3A_110] : memref<10112x128xf32, #tpu.memory_space<vmem_shared>> -> memref<10112x128xf32, #tpu.memory_space<vmem_shared>>
          tpu.wait_indirect_dma semaphore(%run_scoped3A : memref<!tpu.dma_semaphore, #tpu.memory_space<semaphore_mem>>) src(%arg12 : memref<128x128xf32, #tpu.memory_space<vmem>>) dst(%dma_wait3A_111 : memref<10112x128xf32, #tpu.memory_space<vmem_shared>>)
          tpu.yield
        }) : () -> ()
        %lt3A_101 = arith.constant 65 : i32
        %lt3A_102 = arith.cmpi slt, %scan3A_48, %lt3A_101 : i32
        %convert_element_type3A_103 = arith.extui %lt3A_102 : i1 to i32
        %cond3A_104 = arith.constant 0 : i32
        %cond3A_105 = arith.cmpi ne, %convert_element_type3A_103, %cond3A_104 : i32
        scf.if %cond3A_105 {
          %add3A_106 = arith.constant 3 : i32
          %add3A_107 = arith.addi %add3A_51, %add3A_106 : i32
          %dma_start3A_108 = arith.constant 0 : i32
          %dma_start3A_109 = tpu.memref_slice %arg3[%add3A_107, %dma_start3A_108] : memref<2624x128xi32, #tpu.memory_space<hbm>> -> memref<1x128xi32, #tpu.memory_space<hbm>>
          %dma_start3A_110 = tpu.memref_squeeze %dma_start3A_109 : memref<1x128xi32, #tpu.memory_space<hbm>> -> memref<128xi32, #tpu.memory_space<hbm>>
          %dma_start3A_111 = arith.constant 0 : i32
          %dma_start3A_112 = tpu.memref_slice %arg3[%add3A_107, %dma_start3A_111] : memref<2624x128xi32, #tpu.memory_space<hbm>> -> memref<1x128xi32, #tpu.memory_space<hbm>>
          %dma_start3A_113 = tpu.memref_squeeze %dma_start3A_112 : memref<1x128xi32, #tpu.memory_space<hbm>> -> memref<128xi32, #tpu.memory_space<hbm>>
          tpu.enqueue_dma source(%dma_start3A_113 : memref<128xi32, #tpu.memory_space<hbm>>) target(%arg8 : memref<128xi32, #tpu.memory_space<vmem>>) target_semaphore(%arg15 : memref<!tpu.dma_semaphore, #tpu.memory_space<semaphore_mem>>)
          %add3A_114 = arith.constant 3 : i32
          %add3A_115 = arith.addi %add3A_51, %add3A_114 : i32
          %dma_start3A_116 = arith.constant 0 : i32
          %dma_start3A_117 = tpu.memref_slice %arg4[%add3A_115, %dma_start3A_116] : memref<2624x128xi32, #tpu.memory_space<hbm>> -> memref<1x128xi32, #tpu.memory_space<hbm>>
          %dma_start3A_118 = tpu.memref_squeeze %dma_start3A_117 : memref<1x128xi32, #tpu.memory_space<hbm>> -> memref<128xi32, #tpu.memory_space<hbm>>
          %dma_start3A_119 = arith.constant 0 : i32
          %dma_start3A_120 = tpu.memref_slice %arg4[%add3A_115, %dma_start3A_119] : memref<2624x128xi32, #tpu.memory_space<hbm>> -> memref<1x128xi32, #tpu.memory_space<hbm>>
          %dma_start3A_121 = tpu.memref_squeeze %dma_start3A_120 : memref<1x128xi32, #tpu.memory_space<hbm>> -> memref<128xi32, #tpu.memory_space<hbm>>
          tpu.enqueue_dma source(%dma_start3A_121 : memref<128xi32, #tpu.memory_space<hbm>>) target(%arg10 : memref<128xi32, #tpu.memory_space<vmem>>) target_semaphore(%arg17 : memref<!tpu.dma_semaphore, #tpu.memory_space<semaphore_mem>>)
        } else {
        }
      }
      %scan3A_47 = arith.constant 66 : i32
    } else {
    }
    %eq3A_5 = arith.constant 1 : i32
    %eq3A_6 = arith.cmpi eq, %arg0, %eq3A_5 : i32
    %convert_element_type3A_7 = arith.extui %eq3A_6 : i1 to i32
    %cond3A_8 = arith.constant 0 : i32
    %cond3A_9 = arith.cmpi ne, %convert_element_type3A_7, %cond3A_8 : i32
    scf.if %cond3A_9 {
      %mul3A_14 = arith.constant 32 : i32
      %mul3A_15 = arith.muli %arg1, %mul3A_14 : i32
      %add3A = arith.constant 2112 : i32
      %add3A_16 = arith.addi %add3A, %mul3A_15 : i32
      %dma_start3A = arith.constant 0 : i32
      %dma_start3A_17 = tpu.memref_slice %arg3[%add3A_16, %dma_start3A] : memref<2624x128xi32, #tpu.memory_space<hbm>> -> memref<1x128xi32, #tpu.memory_space<hbm>>
      %dma_start3A_18 = tpu.memref_squeeze %dma_start3A_17 : memref<1x128xi32, #tpu.memory_space<hbm>> -> memref<128xi32, #tpu.memory_space<hbm>>
      %dma_start3A_19 = arith.constant 0 : i32
      %dma_start3A_20 = tpu.memref_slice %arg3[%add3A_16, %dma_start3A_19] : memref<2624x128xi32, #tpu.memory_space<hbm>> -> memref<1x128xi32, #tpu.memory_space<hbm>>
      %dma_start3A_21 = tpu.memref_squeeze %dma_start3A_20 : memref<1x128xi32, #tpu.memory_space<hbm>> -> memref<128xi32, #tpu.memory_space<hbm>>
      tpu.enqueue_dma source(%dma_start3A_21 : memref<128xi32, #tpu.memory_space<hbm>>) target(%arg7 : memref<128xi32, #tpu.memory_space<vmem>>) target_semaphore(%arg14 : memref<!tpu.dma_semaphore, #tpu.memory_space<semaphore_mem>>)
      %dma_start3A_22 = arith.constant 0 : i32
      %dma_start3A_23 = tpu.memref_slice %arg4[%add3A_16, %dma_start3A_22] : memref<2624x128xi32, #tpu.memory_space<hbm>> -> memref<1x128xi32, #tpu.memory_space<hbm>>
      %dma_start3A_24 = tpu.memref_squeeze %dma_start3A_23 : memref<1x128xi32, #tpu.memory_space<hbm>> -> memref<128xi32, #tpu.memory_space<hbm>>
      %dma_start3A_25 = arith.constant 0 : i32
      %dma_start3A_26 = tpu.memref_slice %arg4[%add3A_16, %dma_start3A_25] : memref<2624x128xi32, #tpu.memory_space<hbm>> -> memref<1x128xi32, #tpu.memory_space<hbm>>
      %dma_start3A_27 = tpu.memref_squeeze %dma_start3A_26 : memref<1x128xi32, #tpu.memory_space<hbm>> -> memref<128xi32, #tpu.memory_space<hbm>>
      tpu.enqueue_dma source(%dma_start3A_27 : memref<128xi32, #tpu.memory_space<hbm>>) target(%arg9 : memref<128xi32, #tpu.memory_space<vmem>>) target_semaphore(%arg16 : memref<!tpu.dma_semaphore, #tpu.memory_space<semaphore_mem>>)
      %add3A_28 = arith.constant 1 : i32
      %add3A_29 = arith.addi %add3A_16, %add3A_28 : i32
      %dma_start3A_30 = arith.constant 0 : i32
      %dma_start3A_31 = tpu.memref_slice %arg3[%add3A_29, %dma_start3A_30] : memref<2624x128xi32, #tpu.memory_space<hbm>> -> memref<1x128xi32, #tpu.memory_space<hbm>>
      %dma_start3A_32 = tpu.memref_squeeze %dma_start3A_31 : memref<1x128xi32, #tpu.memory_space<hbm>> -> memref<128xi32, #tpu.memory_space<hbm>>
      %dma_start3A_33 = arith.constant 0 : i32
      %dma_start3A_34 = tpu.memref_slice %arg3[%add3A_29, %dma_start3A_33] : memref<2624x128xi32, #tpu.memory_space<hbm>> -> memref<1x128xi32, #tpu.memory_space<hbm>>
      %dma_start3A_35 = tpu.memref_squeeze %dma_start3A_34 : memref<1x128xi32, #tpu.memory_space<hbm>> -> memref<128xi32, #tpu.memory_space<hbm>>
      tpu.enqueue_dma source(%dma_start3A_35 : memref<128xi32, #tpu.memory_space<hbm>>) target(%arg8 : memref<128xi32, #tpu.memory_space<vmem>>) target_semaphore(%arg15 : memref<!tpu.dma_semaphore, #tpu.memory_space<semaphore_mem>>)
      %add3A_36 = arith.constant 1 : i32
      %add3A_37 = arith.addi %add3A_16, %add3A_36 : i32
      %dma_start3A_38 = arith.constant 0 : i32
      %dma_start3A_39 = tpu.memref_slice %arg4[%add3A_37, %dma_start3A_38] : memref<2624x128xi32, #tpu.memory_space<hbm>> -> memref<1x128xi32, #tpu.memory_space<hbm>>
      %dma_start3A_40 = tpu.memref_squeeze %dma_start3A_39 : memref<1x128xi32, #tpu.memory_space<hbm>> -> memref<128xi32, #tpu.memory_space<hbm>>
      %dma_start3A_41 = arith.constant 0 : i32
      %dma_start3A_42 = tpu.memref_slice %arg4[%add3A_37, %dma_start3A_41] : memref<2624x128xi32, #tpu.memory_space<hbm>> -> memref<1x128xi32, #tpu.memory_space<hbm>>
      %dma_start3A_43 = tpu.memref_squeeze %dma_start3A_42 : memref<1x128xi32, #tpu.memory_space<hbm>> -> memref<128xi32, #tpu.memory_space<hbm>>
      tpu.enqueue_dma source(%dma_start3A_43 : memref<128xi32, #tpu.memory_space<hbm>>) target(%arg10 : memref<128xi32, #tpu.memory_space<vmem>>) target_semaphore(%arg17 : memref<!tpu.dma_semaphore, #tpu.memory_space<semaphore_mem>>)
      %barrier3A_44 = arith.constant 0 : index
      tpu.barrier barrier_id(%barrier3A_44)
      %scan3A = arith.constant 0 : i32
      %scan3A_45 = arith.constant 0 : i32
      %scan3A_46 = arith.constant 16 : i32
      %scan3A_47 = arith.addi %scan3A_45, %scan3A_46 : i32
      %scan3A_48 = arith.constant 1 : i32
      scf.for %scan3A_50 = %scan3A_45 to %scan3A_47 step %scan3A_48  : i32 {
        %mul3A_51 = arith.constant 2 : i32
        %mul3A_52 = arith.muli %mul3A_51, %scan3A_50 : i32
        %add3A_53 = arith.addi %add3A_16, %mul3A_52 : i32
        %dma_wait3A = arith.constant 0 : i32
        %dma_wait3A_54 = arith.constant 0 : i32
        %dma_wait3A_55 = tpu.memref_slice %arg3[%dma_wait3A, %dma_wait3A_54] : memref<2624x128xi32, #tpu.memory_space<hbm>> -> memref<1x128xi32, #tpu.memory_space<hbm>>
        %dma_wait3A_56 = tpu.memref_squeeze %dma_wait3A_55 : memref<1x128xi32, #tpu.memory_space<hbm>> -> memref<128xi32, #tpu.memory_space<hbm>>
        %dma_wait3A_57 = arith.constant 0 : i32
        %dma_wait3A_58 = tpu.memref_slice %arg3[%dma_wait3A, %dma_wait3A_57] : memref<2624x128xi32, #tpu.memory_space<hbm>> -> memref<1x128xi32, #tpu.memory_space<hbm>>
        %dma_wait3A_59 = tpu.memref_squeeze %dma_wait3A_58 : memref<1x128xi32, #tpu.memory_space<hbm>> -> memref<128xi32, #tpu.memory_space<hbm>>
        tpu.wait_dma2 semaphore(%arg14 : memref<!tpu.dma_semaphore, #tpu.memory_space<semaphore_mem>>) src(%dma_wait3A_59 : memref<128xi32, #tpu.memory_space<hbm>>) dst(%arg7 : memref<128xi32, #tpu.memory_space<vmem>>)
        %dma_start3A_60 = arith.constant 0 : i32
        %dma_start3A_61 = arith.constant 0 : i32
        %dma_start3A_62 = tpu.memref_slice %arg2[%dma_start3A_60, %dma_start3A_61] : memref<10112x128xf32, #tpu.memory_space<hbm>> -> memref<10112x128xf32, #tpu.memory_space<hbm>>
        tpu.enqueue_indirect_dma source(%dma_start3A_62 : memref<10112x128xf32, #tpu.memory_space<hbm>>) target(%arg11 : memref<128x128xf32, #tpu.memory_space<vmem>>) offsets(%arg7 : memref<128xi32, #tpu.memory_space<vmem>>) semaphore(%arg18 : memref<!tpu.dma_semaphore, #tpu.memory_space<semaphore_mem>>)
        %dma_wait3A_63 = arith.constant 0 : i32
        %dma_wait3A_64 = arith.constant 0 : i32
        %dma_wait3A_65 = tpu.memref_slice %arg3[%dma_wait3A_63, %dma_wait3A_64] : memref<2624x128xi32, #tpu.memory_space<hbm>> -> memref<1x128xi32, #tpu.memory_space<hbm>>
        %dma_wait3A_66 = tpu.memref_squeeze %dma_wait3A_65 : memref<1x128xi32, #tpu.memory_space<hbm>> -> memref<128xi32, #tpu.memory_space<hbm>>
        %dma_wait3A_67 = arith.constant 0 : i32
        %dma_wait3A_68 = tpu.memref_slice %arg3[%dma_wait3A_63, %dma_wait3A_67] : memref<2624x128xi32, #tpu.memory_space<hbm>> -> memref<1x128xi32, #tpu.memory_space<hbm>>
        %dma_wait3A_69 = tpu.memref_squeeze %dma_wait3A_68 : memref<1x128xi32, #tpu.memory_space<hbm>> -> memref<128xi32, #tpu.memory_space<hbm>>
        tpu.wait_dma2 semaphore(%arg15 : memref<!tpu.dma_semaphore, #tpu.memory_space<semaphore_mem>>) src(%dma_wait3A_69 : memref<128xi32, #tpu.memory_space<hbm>>) dst(%arg8 : memref<128xi32, #tpu.memory_space<vmem>>)
        %dma_start3A_70 = arith.constant 0 : i32
        %dma_start3A_71 = arith.constant 0 : i32
        %dma_start3A_72 = tpu.memref_slice %arg2[%dma_start3A_70, %dma_start3A_71] : memref<10112x128xf32, #tpu.memory_space<hbm>> -> memref<10112x128xf32, #tpu.memory_space<hbm>>
        tpu.enqueue_indirect_dma source(%dma_start3A_72 : memref<10112x128xf32, #tpu.memory_space<hbm>>) target(%arg12 : memref<128x128xf32, #tpu.memory_space<vmem>>) offsets(%arg8 : memref<128xi32, #tpu.memory_space<vmem>>) semaphore(%arg19 : memref<!tpu.dma_semaphore, #tpu.memory_space<semaphore_mem>>)
        %dma_wait3A_73 = arith.constant 0 : i32
        %dma_wait3A_74 = arith.constant 0 : i32
        %dma_wait3A_75 = tpu.memref_slice %arg2[%dma_wait3A_73, %dma_wait3A_74] : memref<10112x128xf32, #tpu.memory_space<hbm>> -> memref<128x128xf32, #tpu.memory_space<hbm>>
        %dma_wait3A_76 = arith.constant 0 : i32
        %dma_wait3A_77 = arith.constant 0 : i32
        %dma_wait3A_78 = tpu.memref_slice %arg2[%dma_wait3A_76, %dma_wait3A_77] : memref<10112x128xf32, #tpu.memory_space<hbm>> -> memref<128x128xf32, #tpu.memory_space<hbm>>
        tpu.wait_dma2 semaphore(%arg18 : memref<!tpu.dma_semaphore, #tpu.memory_space<semaphore_mem>>) src(%dma_wait3A_78 : memref<128x128xf32, #tpu.memory_space<hbm>>) dst(%arg11 : memref<128x128xf32, #tpu.memory_space<vmem>>)
        %dma_wait3A_79 = arith.constant 0 : i32
        %dma_wait3A_80 = arith.constant 0 : i32
        %dma_wait3A_81 = tpu.memref_slice %arg4[%dma_wait3A_79, %dma_wait3A_80] : memref<2624x128xi32, #tpu.memory_space<hbm>> -> memref<1x128xi32, #tpu.memory_space<hbm>>
        %dma_wait3A_82 = tpu.memref_squeeze %dma_wait3A_81 : memref<1x128xi32, #tpu.memory_space<hbm>> -> memref<128xi32, #tpu.memory_space<hbm>>
        %dma_wait3A_83 = arith.constant 0 : i32
        %dma_wait3A_84 = tpu.memref_slice %arg4[%dma_wait3A_79, %dma_wait3A_83] : memref<2624x128xi32, #tpu.memory_space<hbm>> -> memref<1x128xi32, #tpu.memory_space<hbm>>
        %dma_wait3A_85 = tpu.memref_squeeze %dma_wait3A_84 : memref<1x128xi32, #tpu.memory_space<hbm>> -> memref<128xi32, #tpu.memory_space<hbm>>
        tpu.wait_dma2 semaphore(%arg16 : memref<!tpu.dma_semaphore, #tpu.memory_space<semaphore_mem>>) src(%dma_wait3A_85 : memref<128xi32, #tpu.memory_space<hbm>>) dst(%arg9 : memref<128xi32, #tpu.memory_space<vmem>>)
        "tpu.region"() ({
          %run_scoped3A = tpu.sem_alloc : memref<!tpu.dma_semaphore, #tpu.memory_space<semaphore_mem>>
          %dma_start3A_108 = arith.constant 0 : i32
          %dma_start3A_109 = arith.constant 0 : i32
          %dma_start3A_110 = tpu.memref_slice %arg13[%dma_start3A_108, %dma_start3A_109] : memref<10112x128xf32, #tpu.memory_space<vmem_shared>> -> memref<10112x128xf32, #tpu.memory_space<vmem_shared>>
          tpu.enqueue_indirect_dma source(%arg11 : memref<128x128xf32, #tpu.memory_space<vmem>>) target(%dma_start3A_110 : memref<10112x128xf32, #tpu.memory_space<vmem_shared>>) offsets(%arg9 : memref<128xi32, #tpu.memory_space<vmem>>) semaphore(%run_scoped3A : memref<!tpu.dma_semaphore, #tpu.memory_space<semaphore_mem>>) {add = true}
          %dma_wait3A_111 = arith.constant 0 : i32
          %dma_wait3A_112 = arith.constant 0 : i32
          %dma_wait3A_113 = tpu.memref_slice %arg13[%dma_wait3A_111, %dma_wait3A_112] : memref<10112x128xf32, #tpu.memory_space<vmem_shared>> -> memref<10112x128xf32, #tpu.memory_space<vmem_shared>>
          tpu.wait_indirect_dma semaphore(%run_scoped3A : memref<!tpu.dma_semaphore, #tpu.memory_space<semaphore_mem>>) src(%arg11 : memref<128x128xf32, #tpu.memory_space<vmem>>) dst(%dma_wait3A_113 : memref<10112x128xf32, #tpu.memory_space<vmem_shared>>)
          tpu.yield
        }) : () -> ()
        %lt3A = arith.constant 15 : i32
        %lt3A_86 = arith.cmpi slt, %scan3A_50, %lt3A : i32
        %convert_element_type3A_87 = arith.extui %lt3A_86 : i1 to i32
        %cond3A_88 = arith.constant 0 : i32
        %cond3A_89 = arith.cmpi ne, %convert_element_type3A_87, %cond3A_88 : i32
        scf.if %cond3A_89 {
          %add3A_108 = arith.constant 2 : i32
          %add3A_109 = arith.addi %add3A_53, %add3A_108 : i32
          %dma_start3A_110 = arith.constant 0 : i32
          %dma_start3A_111 = tpu.memref_slice %arg3[%add3A_109, %dma_start3A_110] : memref<2624x128xi32, #tpu.memory_space<hbm>> -> memref<1x128xi32, #tpu.memory_space<hbm>>
          %dma_start3A_112 = tpu.memref_squeeze %dma_start3A_111 : memref<1x128xi32, #tpu.memory_space<hbm>> -> memref<128xi32, #tpu.memory_space<hbm>>
          %dma_start3A_113 = arith.constant 0 : i32
          %dma_start3A_114 = tpu.memref_slice %arg3[%add3A_109, %dma_start3A_113] : memref<2624x128xi32, #tpu.memory_space<hbm>> -> memref<1x128xi32, #tpu.memory_space<hbm>>
          %dma_start3A_115 = tpu.memref_squeeze %dma_start3A_114 : memref<1x128xi32, #tpu.memory_space<hbm>> -> memref<128xi32, #tpu.memory_space<hbm>>
          tpu.enqueue_dma source(%dma_start3A_115 : memref<128xi32, #tpu.memory_space<hbm>>) target(%arg7 : memref<128xi32, #tpu.memory_space<vmem>>) target_semaphore(%arg14 : memref<!tpu.dma_semaphore, #tpu.memory_space<semaphore_mem>>)
          %add3A_116 = arith.constant 2 : i32
          %add3A_117 = arith.addi %add3A_53, %add3A_116 : i32
          %dma_start3A_118 = arith.constant 0 : i32
          %dma_start3A_119 = tpu.memref_slice %arg4[%add3A_117, %dma_start3A_118] : memref<2624x128xi32, #tpu.memory_space<hbm>> -> memref<1x128xi32, #tpu.memory_space<hbm>>
          %dma_start3A_120 = tpu.memref_squeeze %dma_start3A_119 : memref<1x128xi32, #tpu.memory_space<hbm>> -> memref<128xi32, #tpu.memory_space<hbm>>
          %dma_start3A_121 = arith.constant 0 : i32
          %dma_start3A_122 = tpu.memref_slice %arg4[%add3A_117, %dma_start3A_121] : memref<2624x128xi32, #tpu.memory_space<hbm>> -> memref<1x128xi32, #tpu.memory_space<hbm>>
          %dma_start3A_123 = tpu.memref_squeeze %dma_start3A_122 : memref<1x128xi32, #tpu.memory_space<hbm>> -> memref<128xi32, #tpu.memory_space<hbm>>
          tpu.enqueue_dma source(%dma_start3A_123 : memref<128xi32, #tpu.memory_space<hbm>>) target(%arg9 : memref<128xi32, #tpu.memory_space<vmem>>) target_semaphore(%arg16 : memref<!tpu.dma_semaphore, #tpu.memory_space<semaphore_mem>>)
        } else {
        }
        %dma_wait3A_90 = arith.constant 0 : i32
        %dma_wait3A_91 = arith.constant 0 : i32
        %dma_wait3A_92 = tpu.memref_slice %arg2[%dma_wait3A_90, %dma_wait3A_91] : memref<10112x128xf32, #tpu.memory_space<hbm>> -> memref<128x128xf32, #tpu.memory_space<hbm>>
        %dma_wait3A_93 = arith.constant 0 : i32
        %dma_wait3A_94 = arith.constant 0 : i32
        %dma_wait3A_95 = tpu.memref_slice %arg2[%dma_wait3A_93, %dma_wait3A_94] : memref<10112x128xf32, #tpu.memory_space<hbm>> -> memref<128x128xf32, #tpu.memory_space<hbm>>
        tpu.wait_dma2 semaphore(%arg19 : memref<!tpu.dma_semaphore, #tpu.memory_space<semaphore_mem>>) src(%dma_wait3A_95 : memref<128x128xf32, #tpu.memory_space<hbm>>) dst(%arg12 : memref<128x128xf32, #tpu.memory_space<vmem>>)
        %dma_wait3A_96 = arith.constant 0 : i32
        %dma_wait3A_97 = arith.constant 0 : i32
        %dma_wait3A_98 = tpu.memref_slice %arg4[%dma_wait3A_96, %dma_wait3A_97] : memref<2624x128xi32, #tpu.memory_space<hbm>> -> memref<1x128xi32, #tpu.memory_space<hbm>>
        %dma_wait3A_99 = tpu.memref_squeeze %dma_wait3A_98 : memref<1x128xi32, #tpu.memory_space<hbm>> -> memref<128xi32, #tpu.memory_space<hbm>>
        %dma_wait3A_100 = arith.constant 0 : i32
        %dma_wait3A_101 = tpu.memref_slice %arg4[%dma_wait3A_96, %dma_wait3A_100] : memref<2624x128xi32, #tpu.memory_space<hbm>> -> memref<1x128xi32, #tpu.memory_space<hbm>>
        %dma_wait3A_102 = tpu.memref_squeeze %dma_wait3A_101 : memref<1x128xi32, #tpu.memory_space<hbm>> -> memref<128xi32, #tpu.memory_space<hbm>>
        tpu.wait_dma2 semaphore(%arg17 : memref<!tpu.dma_semaphore, #tpu.memory_space<semaphore_mem>>) src(%dma_wait3A_102 : memref<128xi32, #tpu.memory_space<hbm>>) dst(%arg10 : memref<128xi32, #tpu.memory_space<vmem>>)
        "tpu.region"() ({
          %run_scoped3A = tpu.sem_alloc : memref<!tpu.dma_semaphore, #tpu.memory_space<semaphore_mem>>
          %dma_start3A_108 = arith.constant 0 : i32
          %dma_start3A_109 = arith.constant 0 : i32
          %dma_start3A_110 = tpu.memref_slice %arg13[%dma_start3A_108, %dma_start3A_109] : memref<10112x128xf32, #tpu.memory_space<vmem_shared>> -> memref<10112x128xf32, #tpu.memory_space<vmem_shared>>
          tpu.enqueue_indirect_dma source(%arg12 : memref<128x128xf32, #tpu.memory_space<vmem>>) target(%dma_start3A_110 : memref<10112x128xf32, #tpu.memory_space<vmem_shared>>) offsets(%arg10 : memref<128xi32, #tpu.memory_space<vmem>>) semaphore(%run_scoped3A : memref<!tpu.dma_semaphore, #tpu.memory_space<semaphore_mem>>) {add = true}
          %dma_wait3A_111 = arith.constant 0 : i32
          %dma_wait3A_112 = arith.constant 0 : i32
          %dma_wait3A_113 = tpu.memref_slice %arg13[%dma_wait3A_111, %dma_wait3A_112] : memref<10112x128xf32, #tpu.memory_space<vmem_shared>> -> memref<10112x128xf32, #tpu.memory_space<vmem_shared>>
          tpu.wait_indirect_dma semaphore(%run_scoped3A : memref<!tpu.dma_semaphore, #tpu.memory_space<semaphore_mem>>) src(%arg12 : memref<128x128xf32, #tpu.memory_space<vmem>>) dst(%dma_wait3A_113 : memref<10112x128xf32, #tpu.memory_space<vmem_shared>>)
          tpu.yield
        }) : () -> ()
        %lt3A_103 = arith.constant 15 : i32
        %lt3A_104 = arith.cmpi slt, %scan3A_50, %lt3A_103 : i32
        %convert_element_type3A_105 = arith.extui %lt3A_104 : i1 to i32
        %cond3A_106 = arith.constant 0 : i32
        %cond3A_107 = arith.cmpi ne, %convert_element_type3A_105, %cond3A_106 : i32
        scf.if %cond3A_107 {
          %add3A_108 = arith.constant 3 : i32
          %add3A_109 = arith.addi %add3A_53, %add3A_108 : i32
          %dma_start3A_110 = arith.constant 0 : i32
          %dma_start3A_111 = tpu.memref_slice %arg3[%add3A_109, %dma_start3A_110] : memref<2624x128xi32, #tpu.memory_space<hbm>> -> memref<1x128xi32, #tpu.memory_space<hbm>>
          %dma_start3A_112 = tpu.memref_squeeze %dma_start3A_111 : memref<1x128xi32, #tpu.memory_space<hbm>> -> memref<128xi32, #tpu.memory_space<hbm>>
          %dma_start3A_113 = arith.constant 0 : i32
          %dma_start3A_114 = tpu.memref_slice %arg3[%add3A_109, %dma_start3A_113] : memref<2624x128xi32, #tpu.memory_space<hbm>> -> memref<1x128xi32, #tpu.memory_space<hbm>>
          %dma_start3A_115 = tpu.memref_squeeze %dma_start3A_114 : memref<1x128xi32, #tpu.memory_space<hbm>> -> memref<128xi32, #tpu.memory_space<hbm>>
          tpu.enqueue_dma source(%dma_start3A_115 : memref<128xi32, #tpu.memory_space<hbm>>) target(%arg8 : memref<128xi32, #tpu.memory_space<vmem>>) target_semaphore(%arg15 : memref<!tpu.dma_semaphore, #tpu.memory_space<semaphore_mem>>)
          %add3A_116 = arith.constant 3 : i32
          %add3A_117 = arith.addi %add3A_53, %add3A_116 : i32
          %dma_start3A_118 = arith.constant 0 : i32
          %dma_start3A_119 = tpu.memref_slice %arg4[%add3A_117, %dma_start3A_118] : memref<2624x128xi32, #tpu.memory_space<hbm>> -> memref<1x128xi32, #tpu.memory_space<hbm>>
          %dma_start3A_120 = tpu.memref_squeeze %dma_start3A_119 : memref<1x128xi32, #tpu.memory_space<hbm>> -> memref<128xi32, #tpu.memory_space<hbm>>
          %dma_start3A_121 = arith.constant 0 : i32
          %dma_start3A_122 = tpu.memref_slice %arg4[%add3A_117, %dma_start3A_121] : memref<2624x128xi32, #tpu.memory_space<hbm>> -> memref<1x128xi32, #tpu.memory_space<hbm>>
          %dma_start3A_123 = tpu.memref_squeeze %dma_start3A_122 : memref<1x128xi32, #tpu.memory_space<hbm>> -> memref<128xi32, #tpu.memory_space<hbm>>
          tpu.enqueue_dma source(%dma_start3A_123 : memref<128xi32, #tpu.memory_space<hbm>>) target(%arg10 : memref<128xi32, #tpu.memory_space<vmem>>) target_semaphore(%arg17 : memref<!tpu.dma_semaphore, #tpu.memory_space<semaphore_mem>>)
        } else {
        }
      }
      %scan3A_49 = arith.constant 16 : i32
    } else {
    }
    %barrier3A = arith.constant 0 : index
    tpu.barrier barrier_id(%barrier3A)
    %mul3A_10 = arith.constant 632 : i32
    %mul3A_11 = arith.muli %arg1, %mul3A_10 : i32
    %mul3A_12 = arith.constant 632 : i32
    %mul3A_13 = arith.muli %arg1, %mul3A_12 : i32
    "tpu.region"() ({
      %run_scoped3A = tpu.sem_alloc : memref<!tpu.dma_semaphore, #tpu.memory_space<semaphore_mem>>
      %dma_start3A = arith.constant 0 : i32
      %dma_start3A_14 = tpu.memref_slice %arg6[%arg0, %mul3A_13, %dma_start3A] : memref<2x10112x128xf32, #tpu.memory_space<hbm>> -> memref<1x632x128xf32, #tpu.memory_space<hbm>>
      %dma_start3A_15 = tpu.memref_squeeze %dma_start3A_14 : memref<1x632x128xf32, #tpu.memory_space<hbm>> -> memref<632x128xf32, #tpu.memory_space<hbm>>
      %dma_start3A_16 = arith.constant 0 : i32
      %dma_start3A_17 = tpu.memref_slice %arg13[%mul3A_11, %dma_start3A_16] : memref<10112x128xf32, #tpu.memory_space<vmem_shared>> -> memref<632x128xf32, #tpu.memory_space<vmem_shared>>
      tpu.enqueue_dma source(%dma_start3A_17 : memref<632x128xf32, #tpu.memory_space<vmem_shared>>) target(%dma_start3A_15 : memref<632x128xf32, #tpu.memory_space<hbm>>) target_semaphore(%run_scoped3A : memref<!tpu.dma_semaphore, #tpu.memory_space<semaphore_mem>>)
      %dma_wait3A = arith.constant 0 : i32
      %dma_wait3A_18 = tpu.memref_slice %arg6[%arg0, %mul3A_13, %dma_wait3A] : memref<2x10112x128xf32, #tpu.memory_space<hbm>> -> memref<1x632x128xf32, #tpu.memory_space<hbm>>
      %dma_wait3A_19 = tpu.memref_squeeze %dma_wait3A_18 : memref<1x632x128xf32, #tpu.memory_space<hbm>> -> memref<632x128xf32, #tpu.memory_space<hbm>>
      %dma_wait3A_20 = arith.constant 0 : i32
      %dma_wait3A_21 = tpu.memref_slice %arg13[%mul3A_11, %dma_wait3A_20] : memref<10112x128xf32, #tpu.memory_space<vmem_shared>> -> memref<632x128xf32, #tpu.memory_space<vmem_shared>>
      tpu.wait_dma2 semaphore(%run_scoped3A : memref<!tpu.dma_semaphore, #tpu.memory_space<semaphore_mem>>) src(%dma_wait3A_21 : memref<632x128xf32, #tpu.memory_space<vmem_shared>>) dst(%dma_wait3A_19 : memref<632x128xf32, #tpu.memory_space<hbm>>)
      tpu.yield
    }) : () -> ()
    return
  }
}

#map = affine_map<(d0, d1) -> (0, 0)>
#map1 = affine_map<(d0, d1) -> (0, 0, 0)>
module attributes {stable_mosaic.version = 14 : i64} {
  func.func @_scatter_kernel(%arg0: i32, %arg1: i32, %arg2: memref<10112x128xf32, #tpu.memory_space<hbm>>, %arg3: memref<2624x128xi32, #tpu.memory_space<hbm>>, %arg4: memref<2624x128xi32, #tpu.memory_space<hbm>>, %arg5: memref<10112x128xf32, #tpu.memory_space<hbm>>, %arg6: memref<2x10112x128xf32, #tpu.memory_space<hbm>>, %arg7: memref<128xi32, #tpu.memory_space<vmem>>, %arg8: memref<128xi32, #tpu.memory_space<vmem>>, %arg9: memref<128xi32, #tpu.memory_space<vmem>>, %arg10: memref<128xi32, #tpu.memory_space<vmem>>, %arg11: memref<128x128xf32, #tpu.memory_space<vmem>>, %arg12: memref<128x128xf32, #tpu.memory_space<vmem>>, %arg13: memref<10112x128xf32, #tpu.memory_space<vmem_shared>>, %arg14: memref<!tpu.dma_semaphore, #tpu.memory_space<semaphore_mem>>, %arg15: memref<!tpu.dma_semaphore, #tpu.memory_space<semaphore_mem>>, %arg16: memref<!tpu.dma_semaphore, #tpu.memory_space<semaphore_mem>>, %arg17: memref<!tpu.dma_semaphore, #tpu.memory_space<semaphore_mem>>, %arg18: memref<!tpu.dma_semaphore, #tpu.memory_space<semaphore_mem>>, %arg19: memref<!tpu.dma_semaphore, #tpu.memory_space<semaphore_mem>>) attributes {dimension_semantics = [#tpu.dimension_semantics<core_parallel>, #tpu.dimension_semantics<subcore_parallel>], iteration_bounds = array<i64: 2, 16>, scalar_prefetch = 0 : i64, scratch_operands = 13 : i64, tpu.core_type = #tpu.core_type<sc_vector_subcore>, window_params = [{transform_indices = #map}, {transform_indices = #map}, {transform_indices = #map}, {transform_indices = #map}, {transform_indices = #map1}]} {
    %mul3A = arith.constant 632 : i32
    %mul3A_0 = arith.muli %arg1, %mul3A : i32
    %mul3A_1 = arith.constant 632 : i32
    %mul3A_2 = arith.muli %arg1, %mul3A_1 : i32
    "tpu.region"() ({
      %run_scoped3A = tpu.sem_alloc : memref<!tpu.dma_semaphore, #tpu.memory_space<semaphore_mem>>
      %dma_start3A = arith.constant 0 : i32
      %dma_start3A_14 = tpu.memref_slice %arg13[%mul3A_2, %dma_start3A] : memref<10112x128xf32, #tpu.memory_space<vmem_shared>> -> memref<632x128xf32, #tpu.memory_space<vmem_shared>>
      %dma_start3A_15 = arith.constant 0 : i32
      %dma_start3A_16 = tpu.memref_slice %arg5[%mul3A_0, %dma_start3A_15] : memref<10112x128xf32, #tpu.memory_space<hbm>> -> memref<632x128xf32, #tpu.memory_space<hbm>>
      tpu.enqueue_dma source(%dma_start3A_16 : memref<632x128xf32, #tpu.memory_space<hbm>>) target(%dma_start3A_14 : memref<632x128xf32, #tpu.memory_space<vmem_shared>>) target_semaphore(%run_scoped3A : memref<!tpu.dma_semaphore, #tpu.memory_space<semaphore_mem>>)
      %dma_wait3A = arith.constant 0 : i32
      %dma_wait3A_17 = tpu.memref_slice %arg13[%mul3A_2, %dma_wait3A] : memref<10112x128xf32, #tpu.memory_space<vmem_shared>> -> memref<632x128xf32, #tpu.memory_space<vmem_shared>>
      %dma_wait3A_18 = arith.constant 0 : i32
      %dma_wait3A_19 = tpu.memref_slice %arg5[%mul3A_0, %dma_wait3A_18] : memref<10112x128xf32, #tpu.memory_space<hbm>> -> memref<632x128xf32, #tpu.memory_space<hbm>>
      tpu.wait_dma2 semaphore(%run_scoped3A : memref<!tpu.dma_semaphore, #tpu.memory_space<semaphore_mem>>) src(%dma_wait3A_19 : memref<632x128xf32, #tpu.memory_space<hbm>>) dst(%dma_wait3A_17 : memref<632x128xf32, #tpu.memory_space<vmem_shared>>)
      tpu.yield
    }) : () -> ()
    %eq3A = arith.constant 0 : i32
    %eq3A_3 = arith.cmpi eq, %arg0, %eq3A : i32
    %convert_element_type3A = arith.extui %eq3A_3 : i1 to i32
    %cond3A = arith.constant 0 : i32
    %cond3A_4 = arith.cmpi ne, %convert_element_type3A, %cond3A : i32
    scf.if %cond3A_4 {
      %mul3A_14 = arith.constant 132 : i32
      %mul3A_15 = arith.muli %arg1, %mul3A_14 : i32
      %dma_start3A = arith.constant 0 : i32
      %dma_start3A_16 = tpu.memref_slice %arg3[%mul3A_15, %dma_start3A] : memref<2624x128xi32, #tpu.memory_space<hbm>> -> memref<1x128xi32, #tpu.memory_space<hbm>>
      %dma_start3A_17 = tpu.memref_squeeze %dma_start3A_16 : memref<1x128xi32, #tpu.memory_space<hbm>> -> memref<128xi32, #tpu.memory_space<hbm>>
      %dma_start3A_18 = arith.constant 0 : i32
      %dma_start3A_19 = tpu.memref_slice %arg3[%mul3A_15, %dma_start3A_18] : memref<2624x128xi32, #tpu.memory_space<hbm>> -> memref<1x128xi32, #tpu.memory_space<hbm>>
      %dma_start3A_20 = tpu.memref_squeeze %dma_start3A_19 : memref<1x128xi32, #tpu.memory_space<hbm>> -> memref<128xi32, #tpu.memory_space<hbm>>
      tpu.enqueue_dma source(%dma_start3A_20 : memref<128xi32, #tpu.memory_space<hbm>>) target(%arg7 : memref<128xi32, #tpu.memory_space<vmem>>) target_semaphore(%arg14 : memref<!tpu.dma_semaphore, #tpu.memory_space<semaphore_mem>>)
      %dma_start3A_21 = arith.constant 0 : i32
      %dma_start3A_22 = tpu.memref_slice %arg4[%mul3A_15, %dma_start3A_21] : memref<2624x128xi32, #tpu.memory_space<hbm>> -> memref<1x128xi32, #tpu.memory_space<hbm>>
      %dma_start3A_23 = tpu.memref_squeeze %dma_start3A_22 : memref<1x128xi32, #tpu.memory_space<hbm>> -> memref<128xi32, #tpu.memory_space<hbm>>
      %dma_start3A_24 = arith.constant 0 : i32
      %dma_start3A_25 = tpu.memref_slice %arg4[%mul3A_15, %dma_start3A_24] : memref<2624x128xi32, #tpu.memory_space<hbm>> -> memref<1x128xi32, #tpu.memory_space<hbm>>
      %dma_start3A_26 = tpu.memref_squeeze %dma_start3A_25 : memref<1x128xi32, #tpu.memory_space<hbm>> -> memref<128xi32, #tpu.memory_space<hbm>>
      tpu.enqueue_dma source(%dma_start3A_26 : memref<128xi32, #tpu.memory_space<hbm>>) target(%arg9 : memref<128xi32, #tpu.memory_space<vmem>>) target_semaphore(%arg16 : memref<!tpu.dma_semaphore, #tpu.memory_space<semaphore_mem>>)
      %add3A = arith.constant 1 : i32
      %add3A_27 = arith.addi %mul3A_15, %add3A : i32
      %dma_start3A_28 = arith.constant 0 : i32
      %dma_start3A_29 = tpu.memref_slice %arg3[%add3A_27, %dma_start3A_28] : memref<2624x128xi32, #tpu.memory_space<hbm>> -> memref<1x128xi32, #tpu.memory_space<hbm>>
      %dma_start3A_30 = tpu.memref_squeeze %dma_start3A_29 : memref<1x128xi32, #tpu.memory_space<hbm>> -> memref<128xi32, #tpu.memory_space<hbm>>
      %dma_start3A_31 = arith.constant 0 : i32
      %dma_start3A_32 = tpu.memref_slice %arg3[%add3A_27, %dma_start3A_31] : memref<2624x128xi32, #tpu.memory_space<hbm>> -> memref<1x128xi32, #tpu.memory_space<hbm>>
      %dma_start3A_33 = tpu.memref_squeeze %dma_start3A_32 : memref<1x128xi32, #tpu.memory_space<hbm>> -> memref<128xi32, #tpu.memory_space<hbm>>
      tpu.enqueue_dma source(%dma_start3A_33 : memref<128xi32, #tpu.memory_space<hbm>>) target(%arg8 : memref<128xi32, #tpu.memory_space<vmem>>) target_semaphore(%arg15 : memref<!tpu.dma_semaphore, #tpu.memory_space<semaphore_mem>>)
      %add3A_34 = arith.constant 1 : i32
      %add3A_35 = arith.addi %mul3A_15, %add3A_34 : i32
      %dma_start3A_36 = arith.constant 0 : i32
      %dma_start3A_37 = tpu.memref_slice %arg4[%add3A_35, %dma_start3A_36] : memref<2624x128xi32, #tpu.memory_space<hbm>> -> memref<1x128xi32, #tpu.memory_space<hbm>>
      %dma_start3A_38 = tpu.memref_squeeze %dma_start3A_37 : memref<1x128xi32, #tpu.memory_space<hbm>> -> memref<128xi32, #tpu.memory_space<hbm>>
      %dma_start3A_39 = arith.constant 0 : i32
      %dma_start3A_40 = tpu.memref_slice %arg4[%add3A_35, %dma_start3A_39] : memref<2624x128xi32, #tpu.memory_space<hbm>> -> memref<1x128xi32, #tpu.memory_space<hbm>>
      %dma_start3A_41 = tpu.memref_squeeze %dma_start3A_40 : memref<1x128xi32, #tpu.memory_space<hbm>> -> memref<128xi32, #tpu.memory_space<hbm>>
      tpu.enqueue_dma source(%dma_start3A_41 : memref<128xi32, #tpu.memory_space<hbm>>) target(%arg10 : memref<128xi32, #tpu.memory_space<vmem>>) target_semaphore(%arg17 : memref<!tpu.dma_semaphore, #tpu.memory_space<semaphore_mem>>)
      %barrier3A_42 = arith.constant 0 : index
      tpu.barrier barrier_id(%barrier3A_42)
      %scan3A = arith.constant 0 : i32
      %scan3A_43 = arith.constant 0 : i32
      %scan3A_44 = arith.constant 66 : i32
      %scan3A_45 = arith.addi %scan3A_43, %scan3A_44 : i32
      %scan3A_46 = arith.constant 1 : i32
      scf.for %scan3A_48 = %scan3A_43 to %scan3A_45 step %scan3A_46  : i32 {
        %mul3A_49 = arith.constant 2 : i32
        %mul3A_50 = arith.muli %mul3A_49, %scan3A_48 : i32
        %add3A_51 = arith.addi %mul3A_15, %mul3A_50 : i32
        %dma_wait3A = arith.constant 0 : i32
        %dma_wait3A_52 = arith.constant 0 : i32
        %dma_wait3A_53 = tpu.memref_slice %arg3[%dma_wait3A, %dma_wait3A_52] : memref<2624x128xi32, #tpu.memory_space<hbm>> -> memref<1x128xi32, #tpu.memory_space<hbm>>
        %dma_wait3A_54 = tpu.memref_squeeze %dma_wait3A_53 : memref<1x128xi32, #tpu.memory_space<hbm>> -> memref<128xi32, #tpu.memory_space<hbm>>
        %dma_wait3A_55 = arith.constant 0 : i32
        %dma_wait3A_56 = tpu.memref_slice %arg3[%dma_wait3A, %dma_wait3A_55] : memref<2624x128xi32, #tpu.memory_space<hbm>> -> memref<1x128xi32, #tpu.memory_space<hbm>>
        %dma_wait3A_57 = tpu.memref_squeeze %dma_wait3A_56 : memref<1x128xi32, #tpu.memory_space<hbm>> -> memref<128xi32, #tpu.memory_space<hbm>>
        tpu.wait_dma2 semaphore(%arg14 : memref<!tpu.dma_semaphore, #tpu.memory_space<semaphore_mem>>) src(%dma_wait3A_57 : memref<128xi32, #tpu.memory_space<hbm>>) dst(%arg7 : memref<128xi32, #tpu.memory_space<vmem>>)
        %dma_start3A_58 = arith.constant 0 : i32
        %dma_start3A_59 = arith.constant 0 : i32
        %dma_start3A_60 = tpu.memref_slice %arg2[%dma_start3A_58, %dma_start3A_59] : memref<10112x128xf32, #tpu.memory_space<hbm>> -> memref<10112x128xf32, #tpu.memory_space<hbm>>
        tpu.enqueue_indirect_dma source(%dma_start3A_60 : memref<10112x128xf32, #tpu.memory_space<hbm>>) target(%arg11 : memref<128x128xf32, #tpu.memory_space<vmem>>) offsets(%arg7 : memref<128xi32, #tpu.memory_space<vmem>>) semaphore(%arg18 : memref<!tpu.dma_semaphore, #tpu.memory_space<semaphore_mem>>)
        %dma_wait3A_61 = arith.constant 0 : i32
        %dma_wait3A_62 = arith.constant 0 : i32
        %dma_wait3A_63 = tpu.memref_slice %arg3[%dma_wait3A_61, %dma_wait3A_62] : memref<2624x128xi32, #tpu.memory_space<hbm>> -> memref<1x128xi32, #tpu.memory_space<hbm>>
        %dma_wait3A_64 = tpu.memref_squeeze %dma_wait3A_63 : memref<1x128xi32, #tpu.memory_space<hbm>> -> memref<128xi32, #tpu.memory_space<hbm>>
        %dma_wait3A_65 = arith.constant 0 : i32
        %dma_wait3A_66 = tpu.memref_slice %arg3[%dma_wait3A_61, %dma_wait3A_65] : memref<2624x128xi32, #tpu.memory_space<hbm>> -> memref<1x128xi32, #tpu.memory_space<hbm>>
        %dma_wait3A_67 = tpu.memref_squeeze %dma_wait3A_66 : memref<1x128xi32, #tpu.memory_space<hbm>> -> memref<128xi32, #tpu.memory_space<hbm>>
        tpu.wait_dma2 semaphore(%arg15 : memref<!tpu.dma_semaphore, #tpu.memory_space<semaphore_mem>>) src(%dma_wait3A_67 : memref<128xi32, #tpu.memory_space<hbm>>) dst(%arg8 : memref<128xi32, #tpu.memory_space<vmem>>)
        %dma_start3A_68 = arith.constant 0 : i32
        %dma_start3A_69 = arith.constant 0 : i32
        %dma_start3A_70 = tpu.memref_slice %arg2[%dma_start3A_68, %dma_start3A_69] : memref<10112x128xf32, #tpu.memory_space<hbm>> -> memref<10112x128xf32, #tpu.memory_space<hbm>>
        tpu.enqueue_indirect_dma source(%dma_start3A_70 : memref<10112x128xf32, #tpu.memory_space<hbm>>) target(%arg12 : memref<128x128xf32, #tpu.memory_space<vmem>>) offsets(%arg8 : memref<128xi32, #tpu.memory_space<vmem>>) semaphore(%arg19 : memref<!tpu.dma_semaphore, #tpu.memory_space<semaphore_mem>>)
        %dma_wait3A_71 = arith.constant 0 : i32
        %dma_wait3A_72 = arith.constant 0 : i32
        %dma_wait3A_73 = tpu.memref_slice %arg2[%dma_wait3A_71, %dma_wait3A_72] : memref<10112x128xf32, #tpu.memory_space<hbm>> -> memref<128x128xf32, #tpu.memory_space<hbm>>
        %dma_wait3A_74 = arith.constant 0 : i32
        %dma_wait3A_75 = arith.constant 0 : i32
        %dma_wait3A_76 = tpu.memref_slice %arg2[%dma_wait3A_74, %dma_wait3A_75] : memref<10112x128xf32, #tpu.memory_space<hbm>> -> memref<128x128xf32, #tpu.memory_space<hbm>>
        tpu.wait_dma2 semaphore(%arg18 : memref<!tpu.dma_semaphore, #tpu.memory_space<semaphore_mem>>) src(%dma_wait3A_76 : memref<128x128xf32, #tpu.memory_space<hbm>>) dst(%arg11 : memref<128x128xf32, #tpu.memory_space<vmem>>)
        %dma_wait3A_77 = arith.constant 0 : i32
        %dma_wait3A_78 = arith.constant 0 : i32
        %dma_wait3A_79 = tpu.memref_slice %arg4[%dma_wait3A_77, %dma_wait3A_78] : memref<2624x128xi32, #tpu.memory_space<hbm>> -> memref<1x128xi32, #tpu.memory_space<hbm>>
        %dma_wait3A_80 = tpu.memref_squeeze %dma_wait3A_79 : memref<1x128xi32, #tpu.memory_space<hbm>> -> memref<128xi32, #tpu.memory_space<hbm>>
        %dma_wait3A_81 = arith.constant 0 : i32
        %dma_wait3A_82 = tpu.memref_slice %arg4[%dma_wait3A_77, %dma_wait3A_81] : memref<2624x128xi32, #tpu.memory_space<hbm>> -> memref<1x128xi32, #tpu.memory_space<hbm>>
        %dma_wait3A_83 = tpu.memref_squeeze %dma_wait3A_82 : memref<1x128xi32, #tpu.memory_space<hbm>> -> memref<128xi32, #tpu.memory_space<hbm>>
        tpu.wait_dma2 semaphore(%arg16 : memref<!tpu.dma_semaphore, #tpu.memory_space<semaphore_mem>>) src(%dma_wait3A_83 : memref<128xi32, #tpu.memory_space<hbm>>) dst(%arg9 : memref<128xi32, #tpu.memory_space<vmem>>)
        "tpu.region"() ({
          %run_scoped3A = tpu.sem_alloc : memref<!tpu.dma_semaphore, #tpu.memory_space<semaphore_mem>>
          %dma_start3A_106 = arith.constant 0 : i32
          %dma_start3A_107 = arith.constant 0 : i32
          %dma_start3A_108 = tpu.memref_slice %arg13[%dma_start3A_106, %dma_start3A_107] : memref<10112x128xf32, #tpu.memory_space<vmem_shared>> -> memref<10112x128xf32, #tpu.memory_space<vmem_shared>>
          tpu.enqueue_indirect_dma source(%arg11 : memref<128x128xf32, #tpu.memory_space<vmem>>) target(%dma_start3A_108 : memref<10112x128xf32, #tpu.memory_space<vmem_shared>>) offsets(%arg9 : memref<128xi32, #tpu.memory_space<vmem>>) semaphore(%run_scoped3A : memref<!tpu.dma_semaphore, #tpu.memory_space<semaphore_mem>>) {add = true}
          %dma_wait3A_109 = arith.constant 0 : i32
          %dma_wait3A_110 = arith.constant 0 : i32
          %dma_wait3A_111 = tpu.memref_slice %arg13[%dma_wait3A_109, %dma_wait3A_110] : memref<10112x128xf32, #tpu.memory_space<vmem_shared>> -> memref<10112x128xf32, #tpu.memory_space<vmem_shared>>
          tpu.wait_indirect_dma semaphore(%run_scoped3A : memref<!tpu.dma_semaphore, #tpu.memory_space<semaphore_mem>>) src(%arg11 : memref<128x128xf32, #tpu.memory_space<vmem>>) dst(%dma_wait3A_111 : memref<10112x128xf32, #tpu.memory_space<vmem_shared>>)
          tpu.yield
        }) : () -> ()
        %lt3A = arith.constant 65 : i32
        %lt3A_84 = arith.cmpi slt, %scan3A_48, %lt3A : i32
        %convert_element_type3A_85 = arith.extui %lt3A_84 : i1 to i32
        %cond3A_86 = arith.constant 0 : i32
        %cond3A_87 = arith.cmpi ne, %convert_element_type3A_85, %cond3A_86 : i32
        scf.if %cond3A_87 {
          %add3A_106 = arith.constant 2 : i32
          %add3A_107 = arith.addi %add3A_51, %add3A_106 : i32
          %dma_start3A_108 = arith.constant 0 : i32
          %dma_start3A_109 = tpu.memref_slice %arg3[%add3A_107, %dma_start3A_108] : memref<2624x128xi32, #tpu.memory_space<hbm>> -> memref<1x128xi32, #tpu.memory_space<hbm>>
          %dma_start3A_110 = tpu.memref_squeeze %dma_start3A_109 : memref<1x128xi32, #tpu.memory_space<hbm>> -> memref<128xi32, #tpu.memory_space<hbm>>
          %dma_start3A_111 = arith.constant 0 : i32
          %dma_start3A_112 = tpu.memref_slice %arg3[%add3A_107, %dma_start3A_111] : memref<2624x128xi32, #tpu.memory_space<hbm>> -> memref<1x128xi32, #tpu.memory_space<hbm>>
          %dma_start3A_113 = tpu.memref_squeeze %dma_start3A_112 : memref<1x128xi32, #tpu.memory_space<hbm>> -> memref<128xi32, #tpu.memory_space<hbm>>
          tpu.enqueue_dma source(%dma_start3A_113 : memref<128xi32, #tpu.memory_space<hbm>>) target(%arg7 : memref<128xi32, #tpu.memory_space<vmem>>) target_semaphore(%arg14 : memref<!tpu.dma_semaphore, #tpu.memory_space<semaphore_mem>>)
          %add3A_114 = arith.constant 2 : i32
          %add3A_115 = arith.addi %add3A_51, %add3A_114 : i32
          %dma_start3A_116 = arith.constant 0 : i32
          %dma_start3A_117 = tpu.memref_slice %arg4[%add3A_115, %dma_start3A_116] : memref<2624x128xi32, #tpu.memory_space<hbm>> -> memref<1x128xi32, #tpu.memory_space<hbm>>
          %dma_start3A_118 = tpu.memref_squeeze %dma_start3A_117 : memref<1x128xi32, #tpu.memory_space<hbm>> -> memref<128xi32, #tpu.memory_space<hbm>>
          %dma_start3A_119 = arith.constant 0 : i32
          %dma_start3A_120 = tpu.memref_slice %arg4[%add3A_115, %dma_start3A_119] : memref<2624x128xi32, #tpu.memory_space<hbm>> -> memref<1x128xi32, #tpu.memory_space<hbm>>
          %dma_start3A_121 = tpu.memref_squeeze %dma_start3A_120 : memref<1x128xi32, #tpu.memory_space<hbm>> -> memref<128xi32, #tpu.memory_space<hbm>>
          tpu.enqueue_dma source(%dma_start3A_121 : memref<128xi32, #tpu.memory_space<hbm>>) target(%arg9 : memref<128xi32, #tpu.memory_space<vmem>>) target_semaphore(%arg16 : memref<!tpu.dma_semaphore, #tpu.memory_space<semaphore_mem>>)
        } else {
        }
        %dma_wait3A_88 = arith.constant 0 : i32
        %dma_wait3A_89 = arith.constant 0 : i32
        %dma_wait3A_90 = tpu.memref_slice %arg2[%dma_wait3A_88, %dma_wait3A_89] : memref<10112x128xf32, #tpu.memory_space<hbm>> -> memref<128x128xf32, #tpu.memory_space<hbm>>
        %dma_wait3A_91 = arith.constant 0 : i32
        %dma_wait3A_92 = arith.constant 0 : i32
        %dma_wait3A_93 = tpu.memref_slice %arg2[%dma_wait3A_91, %dma_wait3A_92] : memref<10112x128xf32, #tpu.memory_space<hbm>> -> memref<128x128xf32, #tpu.memory_space<hbm>>
        tpu.wait_dma2 semaphore(%arg19 : memref<!tpu.dma_semaphore, #tpu.memory_space<semaphore_mem>>) src(%dma_wait3A_93 : memref<128x128xf32, #tpu.memory_space<hbm>>) dst(%arg12 : memref<128x128xf32, #tpu.memory_space<vmem>>)
        %dma_wait3A_94 = arith.constant 0 : i32
        %dma_wait3A_95 = arith.constant 0 : i32
        %dma_wait3A_96 = tpu.memref_slice %arg4[%dma_wait3A_94, %dma_wait3A_95] : memref<2624x128xi32, #tpu.memory_space<hbm>> -> memref<1x128xi32, #tpu.memory_space<hbm>>
        %dma_wait3A_97 = tpu.memref_squeeze %dma_wait3A_96 : memref<1x128xi32, #tpu.memory_space<hbm>> -> memref<128xi32, #tpu.memory_space<hbm>>
        %dma_wait3A_98 = arith.constant 0 : i32
        %dma_wait3A_99 = tpu.memref_slice %arg4[%dma_wait3A_94, %dma_wait3A_98] : memref<2624x128xi32, #tpu.memory_space<hbm>> -> memref<1x128xi32, #tpu.memory_space<hbm>>
        %dma_wait3A_100 = tpu.memref_squeeze %dma_wait3A_99 : memref<1x128xi32, #tpu.memory_space<hbm>> -> memref<128xi32, #tpu.memory_space<hbm>>
        tpu.wait_dma2 semaphore(%arg17 : memref<!tpu.dma_semaphore, #tpu.memory_space<semaphore_mem>>) src(%dma_wait3A_100 : memref<128xi32, #tpu.memory_space<hbm>>) dst(%arg10 : memref<128xi32, #tpu.memory_space<vmem>>)
        "tpu.region"() ({
          %run_scoped3A = tpu.sem_alloc : memref<!tpu.dma_semaphore, #tpu.memory_space<semaphore_mem>>
          %dma_start3A_106 = arith.constant 0 : i32
          %dma_start3A_107 = arith.constant 0 : i32
          %dma_start3A_108 = tpu.memref_slice %arg13[%dma_start3A_106, %dma_start3A_107] : memref<10112x128xf32, #tpu.memory_space<vmem_shared>> -> memref<10112x128xf32, #tpu.memory_space<vmem_shared>>
          tpu.enqueue_indirect_dma source(%arg12 : memref<128x128xf32, #tpu.memory_space<vmem>>) target(%dma_start3A_108 : memref<10112x128xf32, #tpu.memory_space<vmem_shared>>) offsets(%arg10 : memref<128xi32, #tpu.memory_space<vmem>>) semaphore(%run_scoped3A : memref<!tpu.dma_semaphore, #tpu.memory_space<semaphore_mem>>) {add = true}
          %dma_wait3A_109 = arith.constant 0 : i32
          %dma_wait3A_110 = arith.constant 0 : i32
          %dma_wait3A_111 = tpu.memref_slice %arg13[%dma_wait3A_109, %dma_wait3A_110] : memref<10112x128xf32, #tpu.memory_space<vmem_shared>> -> memref<10112x128xf32, #tpu.memory_space<vmem_shared>>
          tpu.wait_indirect_dma semaphore(%run_scoped3A : memref<!tpu.dma_semaphore, #tpu.memory_space<semaphore_mem>>) src(%arg12 : memref<128x128xf32, #tpu.memory_space<vmem>>) dst(%dma_wait3A_111 : memref<10112x128xf32, #tpu.memory_space<vmem_shared>>)
          tpu.yield
        }) : () -> ()
        %lt3A_101 = arith.constant 65 : i32
        %lt3A_102 = arith.cmpi slt, %scan3A_48, %lt3A_101 : i32
        %convert_element_type3A_103 = arith.extui %lt3A_102 : i1 to i32
        %cond3A_104 = arith.constant 0 : i32
        %cond3A_105 = arith.cmpi ne, %convert_element_type3A_103, %cond3A_104 : i32
        scf.if %cond3A_105 {
          %add3A_106 = arith.constant 3 : i32
          %add3A_107 = arith.addi %add3A_51, %add3A_106 : i32
          %dma_start3A_108 = arith.constant 0 : i32
          %dma_start3A_109 = tpu.memref_slice %arg3[%add3A_107, %dma_start3A_108] : memref<2624x128xi32, #tpu.memory_space<hbm>> -> memref<1x128xi32, #tpu.memory_space<hbm>>
          %dma_start3A_110 = tpu.memref_squeeze %dma_start3A_109 : memref<1x128xi32, #tpu.memory_space<hbm>> -> memref<128xi32, #tpu.memory_space<hbm>>
          %dma_start3A_111 = arith.constant 0 : i32
          %dma_start3A_112 = tpu.memref_slice %arg3[%add3A_107, %dma_start3A_111] : memref<2624x128xi32, #tpu.memory_space<hbm>> -> memref<1x128xi32, #tpu.memory_space<hbm>>
          %dma_start3A_113 = tpu.memref_squeeze %dma_start3A_112 : memref<1x128xi32, #tpu.memory_space<hbm>> -> memref<128xi32, #tpu.memory_space<hbm>>
          tpu.enqueue_dma source(%dma_start3A_113 : memref<128xi32, #tpu.memory_space<hbm>>) target(%arg8 : memref<128xi32, #tpu.memory_space<vmem>>) target_semaphore(%arg15 : memref<!tpu.dma_semaphore, #tpu.memory_space<semaphore_mem>>)
          %add3A_114 = arith.constant 3 : i32
          %add3A_115 = arith.addi %add3A_51, %add3A_114 : i32
          %dma_start3A_116 = arith.constant 0 : i32
          %dma_start3A_117 = tpu.memref_slice %arg4[%add3A_115, %dma_start3A_116] : memref<2624x128xi32, #tpu.memory_space<hbm>> -> memref<1x128xi32, #tpu.memory_space<hbm>>
          %dma_start3A_118 = tpu.memref_squeeze %dma_start3A_117 : memref<1x128xi32, #tpu.memory_space<hbm>> -> memref<128xi32, #tpu.memory_space<hbm>>
          %dma_start3A_119 = arith.constant 0 : i32
          %dma_start3A_120 = tpu.memref_slice %arg4[%add3A_115, %dma_start3A_119] : memref<2624x128xi32, #tpu.memory_space<hbm>> -> memref<1x128xi32, #tpu.memory_space<hbm>>
          %dma_start3A_121 = tpu.memref_squeeze %dma_start3A_120 : memref<1x128xi32, #tpu.memory_space<hbm>> -> memref<128xi32, #tpu.memory_space<hbm>>
          tpu.enqueue_dma source(%dma_start3A_121 : memref<128xi32, #tpu.memory_space<hbm>>) target(%arg10 : memref<128xi32, #tpu.memory_space<vmem>>) target_semaphore(%arg17 : memref<!tpu.dma_semaphore, #tpu.memory_space<semaphore_mem>>)
        } else {
        }
      }
      %scan3A_47 = arith.constant 66 : i32
    } else {
    }
    %eq3A_5 = arith.constant 1 : i32
    %eq3A_6 = arith.cmpi eq, %arg0, %eq3A_5 : i32
    %convert_element_type3A_7 = arith.extui %eq3A_6 : i1 to i32
    %cond3A_8 = arith.constant 0 : i32
    %cond3A_9 = arith.cmpi ne, %convert_element_type3A_7, %cond3A_8 : i32
    scf.if %cond3A_9 {
      %mul3A_14 = arith.constant 32 : i32
      %mul3A_15 = arith.muli %arg1, %mul3A_14 : i32
      %add3A = arith.constant 2112 : i32
      %add3A_16 = arith.addi %add3A, %mul3A_15 : i32
      %dma_start3A = arith.constant 0 : i32
      %dma_start3A_17 = tpu.memref_slice %arg3[%add3A_16, %dma_start3A] : memref<2624x128xi32, #tpu.memory_space<hbm>> -> memref<1x128xi32, #tpu.memory_space<hbm>>
      %dma_start3A_18 = tpu.memref_squeeze %dma_start3A_17 : memref<1x128xi32, #tpu.memory_space<hbm>> -> memref<128xi32, #tpu.memory_space<hbm>>
      %dma_start3A_19 = arith.constant 0 : i32
      %dma_start3A_20 = tpu.memref_slice %arg3[%add3A_16, %dma_start3A_19] : memref<2624x128xi32, #tpu.memory_space<hbm>> -> memref<1x128xi32, #tpu.memory_space<hbm>>
      %dma_start3A_21 = tpu.memref_squeeze %dma_start3A_20 : memref<1x128xi32, #tpu.memory_space<hbm>> -> memref<128xi32, #tpu.memory_space<hbm>>
      tpu.enqueue_dma source(%dma_start3A_21 : memref<128xi32, #tpu.memory_space<hbm>>) target(%arg7 : memref<128xi32, #tpu.memory_space<vmem>>) target_semaphore(%arg14 : memref<!tpu.dma_semaphore, #tpu.memory_space<semaphore_mem>>)
      %dma_start3A_22 = arith.constant 0 : i32
      %dma_start3A_23 = tpu.memref_slice %arg4[%add3A_16, %dma_start3A_22] : memref<2624x128xi32, #tpu.memory_space<hbm>> -> memref<1x128xi32, #tpu.memory_space<hbm>>
      %dma_start3A_24 = tpu.memref_squeeze %dma_start3A_23 : memref<1x128xi32, #tpu.memory_space<hbm>> -> memref<128xi32, #tpu.memory_space<hbm>>
      %dma_start3A_25 = arith.constant 0 : i32
      %dma_start3A_26 = tpu.memref_slice %arg4[%add3A_16, %dma_start3A_25] : memref<2624x128xi32, #tpu.memory_space<hbm>> -> memref<1x128xi32, #tpu.memory_space<hbm>>
      %dma_start3A_27 = tpu.memref_squeeze %dma_start3A_26 : memref<1x128xi32, #tpu.memory_space<hbm>> -> memref<128xi32, #tpu.memory_space<hbm>>
      tpu.enqueue_dma source(%dma_start3A_27 : memref<128xi32, #tpu.memory_space<hbm>>) target(%arg9 : memref<128xi32, #tpu.memory_space<vmem>>) target_semaphore(%arg16 : memref<!tpu.dma_semaphore, #tpu.memory_space<semaphore_mem>>)
      %add3A_28 = arith.constant 1 : i32
      %add3A_29 = arith.addi %add3A_16, %add3A_28 : i32
      %dma_start3A_30 = arith.constant 0 : i32
      %dma_start3A_31 = tpu.memref_slice %arg3[%add3A_29, %dma_start3A_30] : memref<2624x128xi32, #tpu.memory_space<hbm>> -> memref<1x128xi32, #tpu.memory_space<hbm>>
      %dma_start3A_32 = tpu.memref_squeeze %dma_start3A_31 : memref<1x128xi32, #tpu.memory_space<hbm>> -> memref<128xi32, #tpu.memory_space<hbm>>
      %dma_start3A_33 = arith.constant 0 : i32
      %dma_start3A_34 = tpu.memref_slice %arg3[%add3A_29, %dma_start3A_33] : memref<2624x128xi32, #tpu.memory_space<hbm>> -> memref<1x128xi32, #tpu.memory_space<hbm>>
      %dma_start3A_35 = tpu.memref_squeeze %dma_start3A_34 : memref<1x128xi32, #tpu.memory_space<hbm>> -> memref<128xi32, #tpu.memory_space<hbm>>
      tpu.enqueue_dma source(%dma_start3A_35 : memref<128xi32, #tpu.memory_space<hbm>>) target(%arg8 : memref<128xi32, #tpu.memory_space<vmem>>) target_semaphore(%arg15 : memref<!tpu.dma_semaphore, #tpu.memory_space<semaphore_mem>>)
      %add3A_36 = arith.constant 1 : i32
      %add3A_37 = arith.addi %add3A_16, %add3A_36 : i32
      %dma_start3A_38 = arith.constant 0 : i32
      %dma_start3A_39 = tpu.memref_slice %arg4[%add3A_37, %dma_start3A_38] : memref<2624x128xi32, #tpu.memory_space<hbm>> -> memref<1x128xi32, #tpu.memory_space<hbm>>
      %dma_start3A_40 = tpu.memref_squeeze %dma_start3A_39 : memref<1x128xi32, #tpu.memory_space<hbm>> -> memref<128xi32, #tpu.memory_space<hbm>>
      %dma_start3A_41 = arith.constant 0 : i32
      %dma_start3A_42 = tpu.memref_slice %arg4[%add3A_37, %dma_start3A_41] : memref<2624x128xi32, #tpu.memory_space<hbm>> -> memref<1x128xi32, #tpu.memory_space<hbm>>
      %dma_start3A_43 = tpu.memref_squeeze %dma_start3A_42 : memref<1x128xi32, #tpu.memory_space<hbm>> -> memref<128xi32, #tpu.memory_space<hbm>>
      tpu.enqueue_dma source(%dma_start3A_43 : memref<128xi32, #tpu.memory_space<hbm>>) target(%arg10 : memref<128xi32, #tpu.memory_space<vmem>>) target_semaphore(%arg17 : memref<!tpu.dma_semaphore, #tpu.memory_space<semaphore_mem>>)
      %barrier3A_44 = arith.constant 0 : index
      tpu.barrier barrier_id(%barrier3A_44)
      %scan3A = arith.constant 0 : i32
      %scan3A_45 = arith.constant 0 : i32
      %scan3A_46 = arith.constant 16 : i32
      %scan3A_47 = arith.addi %scan3A_45, %scan3A_46 : i32
      %scan3A_48 = arith.constant 1 : i32
      scf.for %scan3A_50 = %scan3A_45 to %scan3A_47 step %scan3A_48  : i32 {
        %mul3A_51 = arith.constant 2 : i32
        %mul3A_52 = arith.muli %mul3A_51, %scan3A_50 : i32
        %add3A_53 = arith.addi %add3A_16, %mul3A_52 : i32
        %dma_wait3A = arith.constant 0 : i32
        %dma_wait3A_54 = arith.constant 0 : i32
        %dma_wait3A_55 = tpu.memref_slice %arg3[%dma_wait3A, %dma_wait3A_54] : memref<2624x128xi32, #tpu.memory_space<hbm>> -> memref<1x128xi32, #tpu.memory_space<hbm>>
        %dma_wait3A_56 = tpu.memref_squeeze %dma_wait3A_55 : memref<1x128xi32, #tpu.memory_space<hbm>> -> memref<128xi32, #tpu.memory_space<hbm>>
        %dma_wait3A_57 = arith.constant 0 : i32
        %dma_wait3A_58 = tpu.memref_slice %arg3[%dma_wait3A, %dma_wait3A_57] : memref<2624x128xi32, #tpu.memory_space<hbm>> -> memref<1x128xi32, #tpu.memory_space<hbm>>
        %dma_wait3A_59 = tpu.memref_squeeze %dma_wait3A_58 : memref<1x128xi32, #tpu.memory_space<hbm>> -> memref<128xi32, #tpu.memory_space<hbm>>
        tpu.wait_dma2 semaphore(%arg14 : memref<!tpu.dma_semaphore, #tpu.memory_space<semaphore_mem>>) src(%dma_wait3A_59 : memref<128xi32, #tpu.memory_space<hbm>>) dst(%arg7 : memref<128xi32, #tpu.memory_space<vmem>>)
        %dma_start3A_60 = arith.constant 0 : i32
        %dma_start3A_61 = arith.constant 0 : i32
        %dma_start3A_62 = tpu.memref_slice %arg2[%dma_start3A_60, %dma_start3A_61] : memref<10112x128xf32, #tpu.memory_space<hbm>> -> memref<10112x128xf32, #tpu.memory_space<hbm>>
        tpu.enqueue_indirect_dma source(%dma_start3A_62 : memref<10112x128xf32, #tpu.memory_space<hbm>>) target(%arg11 : memref<128x128xf32, #tpu.memory_space<vmem>>) offsets(%arg7 : memref<128xi32, #tpu.memory_space<vmem>>) semaphore(%arg18 : memref<!tpu.dma_semaphore, #tpu.memory_space<semaphore_mem>>)
        %dma_wait3A_63 = arith.constant 0 : i32
        %dma_wait3A_64 = arith.constant 0 : i32
        %dma_wait3A_65 = tpu.memref_slice %arg3[%dma_wait3A_63, %dma_wait3A_64] : memref<2624x128xi32, #tpu.memory_space<hbm>> -> memref<1x128xi32, #tpu.memory_space<hbm>>
        %dma_wait3A_66 = tpu.memref_squeeze %dma_wait3A_65 : memref<1x128xi32, #tpu.memory_space<hbm>> -> memref<128xi32, #tpu.memory_space<hbm>>
        %dma_wait3A_67 = arith.constant 0 : i32
        %dma_wait3A_68 = tpu.memref_slice %arg3[%dma_wait3A_63, %dma_wait3A_67] : memref<2624x128xi32, #tpu.memory_space<hbm>> -> memref<1x128xi32, #tpu.memory_space<hbm>>
        %dma_wait3A_69 = tpu.memref_squeeze %dma_wait3A_68 : memref<1x128xi32, #tpu.memory_space<hbm>> -> memref<128xi32, #tpu.memory_space<hbm>>
        tpu.wait_dma2 semaphore(%arg15 : memref<!tpu.dma_semaphore, #tpu.memory_space<semaphore_mem>>) src(%dma_wait3A_69 : memref<128xi32, #tpu.memory_space<hbm>>) dst(%arg8 : memref<128xi32, #tpu.memory_space<vmem>>)
        %dma_start3A_70 = arith.constant 0 : i32
        %dma_start3A_71 = arith.constant 0 : i32
        %dma_start3A_72 = tpu.memref_slice %arg2[%dma_start3A_70, %dma_start3A_71] : memref<10112x128xf32, #tpu.memory_space<hbm>> -> memref<10112x128xf32, #tpu.memory_space<hbm>>
        tpu.enqueue_indirect_dma source(%dma_start3A_72 : memref<10112x128xf32, #tpu.memory_space<hbm>>) target(%arg12 : memref<128x128xf32, #tpu.memory_space<vmem>>) offsets(%arg8 : memref<128xi32, #tpu.memory_space<vmem>>) semaphore(%arg19 : memref<!tpu.dma_semaphore, #tpu.memory_space<semaphore_mem>>)
        %dma_wait3A_73 = arith.constant 0 : i32
        %dma_wait3A_74 = arith.constant 0 : i32
        %dma_wait3A_75 = tpu.memref_slice %arg2[%dma_wait3A_73, %dma_wait3A_74] : memref<10112x128xf32, #tpu.memory_space<hbm>> -> memref<128x128xf32, #tpu.memory_space<hbm>>
        %dma_wait3A_76 = arith.constant 0 : i32
        %dma_wait3A_77 = arith.constant 0 : i32
        %dma_wait3A_78 = tpu.memref_slice %arg2[%dma_wait3A_76, %dma_wait3A_77] : memref<10112x128xf32, #tpu.memory_space<hbm>> -> memref<128x128xf32, #tpu.memory_space<hbm>>
        tpu.wait_dma2 semaphore(%arg18 : memref<!tpu.dma_semaphore, #tpu.memory_space<semaphore_mem>>) src(%dma_wait3A_78 : memref<128x128xf32, #tpu.memory_space<hbm>>) dst(%arg11 : memref<128x128xf32, #tpu.memory_space<vmem>>)
        %dma_wait3A_79 = arith.constant 0 : i32
        %dma_wait3A_80 = arith.constant 0 : i32
        %dma_wait3A_81 = tpu.memref_slice %arg4[%dma_wait3A_79, %dma_wait3A_80] : memref<2624x128xi32, #tpu.memory_space<hbm>> -> memref<1x128xi32, #tpu.memory_space<hbm>>
        %dma_wait3A_82 = tpu.memref_squeeze %dma_wait3A_81 : memref<1x128xi32, #tpu.memory_space<hbm>> -> memref<128xi32, #tpu.memory_space<hbm>>
        %dma_wait3A_83 = arith.constant 0 : i32
        %dma_wait3A_84 = tpu.memref_slice %arg4[%dma_wait3A_79, %dma_wait3A_83] : memref<2624x128xi32, #tpu.memory_space<hbm>> -> memref<1x128xi32, #tpu.memory_space<hbm>>
        %dma_wait3A_85 = tpu.memref_squeeze %dma_wait3A_84 : memref<1x128xi32, #tpu.memory_space<hbm>> -> memref<128xi32, #tpu.memory_space<hbm>>
        tpu.wait_dma2 semaphore(%arg16 : memref<!tpu.dma_semaphore, #tpu.memory_space<semaphore_mem>>) src(%dma_wait3A_85 : memref<128xi32, #tpu.memory_space<hbm>>) dst(%arg9 : memref<128xi32, #tpu.memory_space<vmem>>)
        "tpu.region"() ({
          %run_scoped3A = tpu.sem_alloc : memref<!tpu.dma_semaphore, #tpu.memory_space<semaphore_mem>>
          %dma_start3A_108 = arith.constant 0 : i32
          %dma_start3A_109 = arith.constant 0 : i32
          %dma_start3A_110 = tpu.memref_slice %arg13[%dma_start3A_108, %dma_start3A_109] : memref<10112x128xf32, #tpu.memory_space<vmem_shared>> -> memref<10112x128xf32, #tpu.memory_space<vmem_shared>>
          tpu.enqueue_indirect_dma source(%arg11 : memref<128x128xf32, #tpu.memory_space<vmem>>) target(%dma_start3A_110 : memref<10112x128xf32, #tpu.memory_space<vmem_shared>>) offsets(%arg9 : memref<128xi32, #tpu.memory_space<vmem>>) semaphore(%run_scoped3A : memref<!tpu.dma_semaphore, #tpu.memory_space<semaphore_mem>>) {add = true}
          %dma_wait3A_111 = arith.constant 0 : i32
          %dma_wait3A_112 = arith.constant 0 : i32
          %dma_wait3A_113 = tpu.memref_slice %arg13[%dma_wait3A_111, %dma_wait3A_112] : memref<10112x128xf32, #tpu.memory_space<vmem_shared>> -> memref<10112x128xf32, #tpu.memory_space<vmem_shared>>
          tpu.wait_indirect_dma semaphore(%run_scoped3A : memref<!tpu.dma_semaphore, #tpu.memory_space<semaphore_mem>>) src(%arg11 : memref<128x128xf32, #tpu.memory_space<vmem>>) dst(%dma_wait3A_113 : memref<10112x128xf32, #tpu.memory_space<vmem_shared>>)
          tpu.yield
        }) : () -> ()
        %lt3A = arith.constant 15 : i32
        %lt3A_86 = arith.cmpi slt, %scan3A_50, %lt3A : i32
        %convert_element_type3A_87 = arith.extui %lt3A_86 : i1 to i32
        %cond3A_88 = arith.constant 0 : i32
        %cond3A_89 = arith.cmpi ne, %convert_element_type3A_87, %cond3A_88 : i32
        scf.if %cond3A_89 {
          %add3A_108 = arith.constant 2 : i32
          %add3A_109 = arith.addi %add3A_53, %add3A_108 : i32
          %dma_start3A_110 = arith.constant 0 : i32
          %dma_start3A_111 = tpu.memref_slice %arg3[%add3A_109, %dma_start3A_110] : memref<2624x128xi32, #tpu.memory_space<hbm>> -> memref<1x128xi32, #tpu.memory_space<hbm>>
          %dma_start3A_112 = tpu.memref_squeeze %dma_start3A_111 : memref<1x128xi32, #tpu.memory_space<hbm>> -> memref<128xi32, #tpu.memory_space<hbm>>
          %dma_start3A_113 = arith.constant 0 : i32
          %dma_start3A_114 = tpu.memref_slice %arg3[%add3A_109, %dma_start3A_113] : memref<2624x128xi32, #tpu.memory_space<hbm>> -> memref<1x128xi32, #tpu.memory_space<hbm>>
          %dma_start3A_115 = tpu.memref_squeeze %dma_start3A_114 : memref<1x128xi32, #tpu.memory_space<hbm>> -> memref<128xi32, #tpu.memory_space<hbm>>
          tpu.enqueue_dma source(%dma_start3A_115 : memref<128xi32, #tpu.memory_space<hbm>>) target(%arg7 : memref<128xi32, #tpu.memory_space<vmem>>) target_semaphore(%arg14 : memref<!tpu.dma_semaphore, #tpu.memory_space<semaphore_mem>>)
          %add3A_116 = arith.constant 2 : i32
          %add3A_117 = arith.addi %add3A_53, %add3A_116 : i32
          %dma_start3A_118 = arith.constant 0 : i32
          %dma_start3A_119 = tpu.memref_slice %arg4[%add3A_117, %dma_start3A_118] : memref<2624x128xi32, #tpu.memory_space<hbm>> -> memref<1x128xi32, #tpu.memory_space<hbm>>
          %dma_start3A_120 = tpu.memref_squeeze %dma_start3A_119 : memref<1x128xi32, #tpu.memory_space<hbm>> -> memref<128xi32, #tpu.memory_space<hbm>>
          %dma_start3A_121 = arith.constant 0 : i32
          %dma_start3A_122 = tpu.memref_slice %arg4[%add3A_117, %dma_start3A_121] : memref<2624x128xi32, #tpu.memory_space<hbm>> -> memref<1x128xi32, #tpu.memory_space<hbm>>
          %dma_start3A_123 = tpu.memref_squeeze %dma_start3A_122 : memref<1x128xi32, #tpu.memory_space<hbm>> -> memref<128xi32, #tpu.memory_space<hbm>>
          tpu.enqueue_dma source(%dma_start3A_123 : memref<128xi32, #tpu.memory_space<hbm>>) target(%arg9 : memref<128xi32, #tpu.memory_space<vmem>>) target_semaphore(%arg16 : memref<!tpu.dma_semaphore, #tpu.memory_space<semaphore_mem>>)
        } else {
        }
        %dma_wait3A_90 = arith.constant 0 : i32
        %dma_wait3A_91 = arith.constant 0 : i32
        %dma_wait3A_92 = tpu.memref_slice %arg2[%dma_wait3A_90, %dma_wait3A_91] : memref<10112x128xf32, #tpu.memory_space<hbm>> -> memref<128x128xf32, #tpu.memory_space<hbm>>
        %dma_wait3A_93 = arith.constant 0 : i32
        %dma_wait3A_94 = arith.constant 0 : i32
        %dma_wait3A_95 = tpu.memref_slice %arg2[%dma_wait3A_93, %dma_wait3A_94] : memref<10112x128xf32, #tpu.memory_space<hbm>> -> memref<128x128xf32, #tpu.memory_space<hbm>>
        tpu.wait_dma2 semaphore(%arg19 : memref<!tpu.dma_semaphore, #tpu.memory_space<semaphore_mem>>) src(%dma_wait3A_95 : memref<128x128xf32, #tpu.memory_space<hbm>>) dst(%arg12 : memref<128x128xf32, #tpu.memory_space<vmem>>)
        %dma_wait3A_96 = arith.constant 0 : i32
        %dma_wait3A_97 = arith.constant 0 : i32
        %dma_wait3A_98 = tpu.memref_slice %arg4[%dma_wait3A_96, %dma_wait3A_97] : memref<2624x128xi32, #tpu.memory_space<hbm>> -> memref<1x128xi32, #tpu.memory_space<hbm>>
        %dma_wait3A_99 = tpu.memref_squeeze %dma_wait3A_98 : memref<1x128xi32, #tpu.memory_space<hbm>> -> memref<128xi32, #tpu.memory_space<hbm>>
        %dma_wait3A_100 = arith.constant 0 : i32
        %dma_wait3A_101 = tpu.memref_slice %arg4[%dma_wait3A_96, %dma_wait3A_100] : memref<2624x128xi32, #tpu.memory_space<hbm>> -> memref<1x128xi32, #tpu.memory_space<hbm>>
        %dma_wait3A_102 = tpu.memref_squeeze %dma_wait3A_101 : memref<1x128xi32, #tpu.memory_space<hbm>> -> memref<128xi32, #tpu.memory_space<hbm>>
        tpu.wait_dma2 semaphore(%arg17 : memref<!tpu.dma_semaphore, #tpu.memory_space<semaphore_mem>>) src(%dma_wait3A_102 : memref<128xi32, #tpu.memory_space<hbm>>) dst(%arg10 : memref<128xi32, #tpu.memory_space<vmem>>)
        "tpu.region"() ({
          %run_scoped3A = tpu.sem_alloc : memref<!tpu.dma_semaphore, #tpu.memory_space<semaphore_mem>>
          %dma_start3A_108 = arith.constant 0 : i32
          %dma_start3A_109 = arith.constant 0 : i32
          %dma_start3A_110 = tpu.memref_slice %arg13[%dma_start3A_108, %dma_start3A_109] : memref<10112x128xf32, #tpu.memory_space<vmem_shared>> -> memref<10112x128xf32, #tpu.memory_space<vmem_shared>>
          tpu.enqueue_indirect_dma source(%arg12 : memref<128x128xf32, #tpu.memory_space<vmem>>) target(%dma_start3A_110 : memref<10112x128xf32, #tpu.memory_space<vmem_shared>>) offsets(%arg10 : memref<128xi32, #tpu.memory_space<vmem>>) semaphore(%run_scoped3A : memref<!tpu.dma_semaphore, #tpu.memory_space<semaphore_mem>>) {add = true}
          %dma_wait3A_111 = arith.constant 0 : i32
          %dma_wait3A_112 = arith.constant 0 : i32
          %dma_wait3A_113 = tpu.memref_slice %arg13[%dma_wait3A_111, %dma_wait3A_112] : memref<10112x128xf32, #tpu.memory_space<vmem_shared>> -> memref<10112x128xf32, #tpu.memory_space<vmem_shared>>
          tpu.wait_indirect_dma semaphore(%run_scoped3A : memref<!tpu.dma_semaphore, #tpu.memory_space<semaphore_mem>>) src(%arg12 : memref<128x128xf32, #tpu.memory_space<vmem>>) dst(%dma_wait3A_113 : memref<10112x128xf32, #tpu.memory_space<vmem_shared>>)
          tpu.yield
        }) : () -> ()
        %lt3A_103 = arith.constant 15 : i32
        %lt3A_104 = arith.cmpi slt, %scan3A_50, %lt3A_103 : i32
        %convert_element_type3A_105 = arith.extui %lt3A_104 : i1 to i32
        %cond3A_106 = arith.constant 0 : i32
        %cond3A_107 = arith.cmpi ne, %convert_element_type3A_105, %cond3A_106 : i32
        scf.if %cond3A_107 {
          %add3A_108 = arith.constant 3 : i32
          %add3A_109 = arith.addi %add3A_53, %add3A_108 : i32
          %dma_start3A_110 = arith.constant 0 : i32
          %dma_start3A_111 = tpu.memref_slice %arg3[%add3A_109, %dma_start3A_110] : memref<2624x128xi32, #tpu.memory_space<hbm>> -> memref<1x128xi32, #tpu.memory_space<hbm>>
          %dma_start3A_112 = tpu.memref_squeeze %dma_start3A_111 : memref<1x128xi32, #tpu.memory_space<hbm>> -> memref<128xi32, #tpu.memory_space<hbm>>
          %dma_start3A_113 = arith.constant 0 : i32
          %dma_start3A_114 = tpu.memref_slice %arg3[%add3A_109, %dma_start3A_113] : memref<2624x128xi32, #tpu.memory_space<hbm>> -> memref<1x128xi32, #tpu.memory_space<hbm>>
          %dma_start3A_115 = tpu.memref_squeeze %dma_start3A_114 : memref<1x128xi32, #tpu.memory_space<hbm>> -> memref<128xi32, #tpu.memory_space<hbm>>
          tpu.enqueue_dma source(%dma_start3A_115 : memref<128xi32, #tpu.memory_space<hbm>>) target(%arg8 : memref<128xi32, #tpu.memory_space<vmem>>) target_semaphore(%arg15 : memref<!tpu.dma_semaphore, #tpu.memory_space<semaphore_mem>>)
          %add3A_116 = arith.constant 3 : i32
          %add3A_117 = arith.addi %add3A_53, %add3A_116 : i32
          %dma_start3A_118 = arith.constant 0 : i32
          %dma_start3A_119 = tpu.memref_slice %arg4[%add3A_117, %dma_start3A_118] : memref<2624x128xi32, #tpu.memory_space<hbm>> -> memref<1x128xi32, #tpu.memory_space<hbm>>
          %dma_start3A_120 = tpu.memref_squeeze %dma_start3A_119 : memref<1x128xi32, #tpu.memory_space<hbm>> -> memref<128xi32, #tpu.memory_space<hbm>>
          %dma_start3A_121 = arith.constant 0 : i32
          %dma_start3A_122 = tpu.memref_slice %arg4[%add3A_117, %dma_start3A_121] : memref<2624x128xi32, #tpu.memory_space<hbm>> -> memref<1x128xi32, #tpu.memory_space<hbm>>
          %dma_start3A_123 = tpu.memref_squeeze %dma_start3A_122 : memref<1x128xi32, #tpu.memory_space<hbm>> -> memref<128xi32, #tpu.memory_space<hbm>>
          tpu.enqueue_dma source(%dma_start3A_123 : memref<128xi32, #tpu.memory_space<hbm>>) target(%arg10 : memref<128xi32, #tpu.memory_space<vmem>>) target_semaphore(%arg17 : memref<!tpu.dma_semaphore, #tpu.memory_space<semaphore_mem>>)
        } else {
        }
      }
      %scan3A_49 = arith.constant 16 : i32
    } else {
    }
    %barrier3A = arith.constant 0 : index
    tpu.barrier barrier_id(%barrier3A)
    %mul3A_10 = arith.constant 632 : i32
    %mul3A_11 = arith.muli %arg1, %mul3A_10 : i32
    %mul3A_12 = arith.constant 632 : i32
    %mul3A_13 = arith.muli %arg1, %mul3A_12 : i32
    "tpu.region"() ({
      %run_scoped3A = tpu.sem_alloc : memref<!tpu.dma_semaphore, #tpu.memory_space<semaphore_mem>>
      %dma_start3A = arith.constant 0 : i32
      %dma_start3A_14 = tpu.memref_slice %arg6[%arg0, %mul3A_13, %dma_start3A] : memref<2x10112x128xf32, #tpu.memory_space<hbm>> -> memref<1x632x128xf32, #tpu.memory_space<hbm>>
      %dma_start3A_15 = tpu.memref_squeeze %dma_start3A_14 : memref<1x632x128xf32, #tpu.memory_space<hbm>> -> memref<632x128xf32, #tpu.memory_space<hbm>>
      %dma_start3A_16 = arith.constant 0 : i32
      %dma_start3A_17 = tpu.memref_slice %arg13[%mul3A_11, %dma_start3A_16] : memref<10112x128xf32, #tpu.memory_space<vmem_shared>> -> memref<632x128xf32, #tpu.memory_space<vmem_shared>>
      tpu.enqueue_dma source(%dma_start3A_17 : memref<632x128xf32, #tpu.memory_space<vmem_shared>>) target(%dma_start3A_15 : memref<632x128xf32, #tpu.memory_space<hbm>>) target_semaphore(%run_scoped3A : memref<!tpu.dma_semaphore, #tpu.memory_space<semaphore_mem>>)
      %dma_wait3A = arith.constant 0 : i32
      %dma_wait3A_18 = tpu.memref_slice %arg6[%arg0, %mul3A_13, %dma_wait3A] : memref<2x10112x128xf32, #tpu.memory_space<hbm>> -> memref<1x632x128xf32, #tpu.memory_space<hbm>>
      %dma_wait3A_19 = tpu.memref_squeeze %dma_wait3A_18 : memref<1x632x128xf32, #tpu.memory_space<hbm>> -> memref<632x128xf32, #tpu.memory_space<hbm>>
      %dma_wait3A_20 = arith.constant 0 : i32
      %dma_wait3A_21 = tpu.memref_slice %arg13[%mul3A_11, %dma_wait3A_20] : memref<10112x128xf32, #tpu.memory_space<vmem_shared>> -> memref<632x128xf32, #tpu.memory_space<vmem_shared>>
      tpu.wait_dma2 semaphore(%run_scoped3A : memref<!tpu.dma_semaphore, #tpu.memory_space<semaphore_mem>>) src(%dma_wait3A_21 : memref<632x128xf32, #tpu.memory_space<vmem_shared>>) dst(%dma_wait3A_19 : memref<632x128xf32, #tpu.memory_space<hbm>>)
      tpu.yield
    }) : () -> ()
    return
  }
}

module attributes {stable_mosaic.version = 14 : i64} {
  func.func @_tc_b_body(%arg0: memref<2x10112x128xf32, #tpu.memory_space<vmem>>, %arg1: memref<2x10112x128xf32, #tpu.memory_space<vmem>>, %arg2: memref<128xf32, #tpu.memory_space<vmem>>, %arg3: memref<128x128xf32, #tpu.memory_space<vmem>>, %arg4: memref<10112x128xf32, #tpu.memory_space<vmem>>) attributes {dimension_semantics = [], scalar_prefetch = 0 : i64, scratch_operands = 0 : i64, tpu.core_type = #tpu.core_type<tc>} {
    %get3A = arith.constant 0 : index
    %get3A_0 = arith.constant 0 : index
    %get3A_1 = arith.constant 0 : index
    %get3A_2 = vector.load %arg0[%get3A, %get3A_0, %get3A_1] : memref<2x10112x128xf32, #tpu.memory_space<vmem>>, vector<2x10112x128xf32>
    %slice3A = vector.extract_strided_slice %get3A_2 {offsets = [0, 0, 0], sizes = [1, 10112, 128], strides = [1, 1, 1]} : vector<2x10112x128xf32> to vector<1x10112x128xf32>
    %squeeze3A = vector.shape_cast %slice3A : vector<1x10112x128xf32> to vector<10112x128xf32>
    %slice3A_3 = vector.extract_strided_slice %get3A_2 {offsets = [1, 0, 0], sizes = [1, 10112, 128], strides = [1, 1, 1]} : vector<2x10112x128xf32> to vector<1x10112x128xf32>
    %squeeze3A_4 = vector.shape_cast %slice3A_3 : vector<1x10112x128xf32> to vector<10112x128xf32>
    %add3A = arith.addf %squeeze3A, %squeeze3A_4 : vector<10112x128xf32>
    %max3A = arith.constant 1.000000e+00 : f32
    %max3A_5 = vector.broadcast %max3A : f32 to vector<10112x128xf32>
    %max3A_6 = arith.maximumf %add3A, %max3A_5 : vector<10112x128xf32>
    %rsqrt3A = math.rsqrt %max3A_6 : vector<10112x128xf32>
    %get3A_7 = arith.constant 0 : index
    %get3A_8 = arith.constant 0 : index
    %get3A_9 = arith.constant 0 : index
    %get3A_10 = vector.load %arg1[%get3A_7, %get3A_8, %get3A_9] : memref<2x10112x128xf32, #tpu.memory_space<vmem>>, vector<1x10112x128xf32>
    %get3A_11 = vector.shape_cast %get3A_10 : vector<1x10112x128xf32> to vector<10112x128xf32>
    %get3A_12 = arith.constant 1 : index
    %get3A_13 = arith.constant 0 : index
    %get3A_14 = arith.constant 0 : index
    %get3A_15 = vector.load %arg1[%get3A_12, %get3A_13, %get3A_14] : memref<2x10112x128xf32, #tpu.memory_space<vmem>>, vector<1x10112x128xf32>
    %get3A_16 = vector.shape_cast %get3A_15 : vector<1x10112x128xf32> to vector<10112x128xf32>
    %add3A_17 = arith.addf %get3A_11, %get3A_16 : vector<10112x128xf32>
    %mul3A = arith.mulf %add3A_17, %rsqrt3A : vector<10112x128xf32>
    %get3A_18 = arith.constant 0 : index
    %get3A_19 = vector.load %arg2[%get3A_18] : memref<128xf32, #tpu.memory_space<vmem>>, vector<128xf32>
    %broadcast_in_dim3A = vector.shape_cast %get3A_19 : vector<128xf32> to vector<1x128xf32>
    %add3A_20 = vector.broadcast %broadcast_in_dim3A : vector<1x128xf32> to vector<10112x128xf32>
    %add3A_21 = arith.addf %mul3A, %add3A_20 : vector<10112x128xf32>
    %max3A_22 = arith.constant 0.000000e+00 : f32
    %max3A_23 = vector.broadcast %max3A_22 : f32 to vector<10112x128xf32>
    %max3A_24 = arith.maximumf %add3A_21, %max3A_23 : vector<10112x128xf32>
    %iota3A = tpu.iota {dimensions = array<i32: 0>} : vector<10112x128xi32>
    %lt3A = arith.constant 10000 : i32
    %lt3A_25 = vector.broadcast %lt3A : i32 to vector<10112x128xi32>
    %lt3A_26 = arith.cmpi slt, %iota3A, %lt3A_25 : vector<10112x128xi32>
    %jit3A = arith.constant 0.000000e+00 : f32
    %broadcast_in_dim3A_27 = vector.broadcast %jit3A : f32 to vector<10112x128xf32>
    %select_n3A = arith.select %lt3A_26, %max3A_24, %broadcast_in_dim3A_27 : vector<10112x128xi1>, vector<10112x128xf32>
    %get3A_28 = arith.constant 0 : index
    %get3A_29 = arith.constant 0 : index
    %get3A_30 = vector.load %arg3[%get3A_28, %get3A_29] : memref<128x128xf32, #tpu.memory_space<vmem>>, vector<128x128xf32>
    %dot_general3A = arith.constant dense<0.000000e+00> : vector<10112x128xf32>
    %dot_general3A_31 = tpu.matmul %select_n3A, %get3A_30, %dot_general3A {dimension_numbers = #tpu.dot_dimension_numbers<[1], [0], [0], [1], [0, 0, 1, 1], [], []>, transpose_lhs_hint = false} : vector<10112x128xf32>, vector<128x128xf32>, vector<10112x128xf32> -> vector<10112x128xf32>
    %mul3A_32 = arith.mulf %dot_general3A_31, %rsqrt3A : vector<10112x128xf32>
    %swap3A = arith.constant 0 : index
    %swap3A_33 = arith.constant 0 : index
    %swap3A_34 = vector.load %arg4[%swap3A, %swap3A_33] : memref<10112x128xf32, #tpu.memory_space<vmem>>, vector<10112x128xf32>
    tpu.vector_store %arg4[%swap3A, %swap3A_33], %mul3A_32 {strides = array<i32>} : memref<10112x128xf32, #tpu.memory_space<vmem>>, vector<10112x128xf32>,
    return
  }
}

module attributes {stable_mosaic.version = 14 : i64} {
  func.func @_tc_a_body(%arg0: memref<2x10112x128xf32, #tpu.memory_space<vmem>>, %arg1: memref<10112x128xf32, #tpu.memory_space<vmem>>, %arg2: memref<128x128xf32, #tpu.memory_space<vmem>>, %arg3: memref<10112x128xf32, #tpu.memory_space<vmem>>) attributes {dimension_semantics = [], scalar_prefetch = 0 : i64, scratch_operands = 0 : i64, tpu.core_type = #tpu.core_type<tc>} {
    %get3A = arith.constant 0 : index
    %get3A_0 = arith.constant 0 : index
    %get3A_1 = vector.load %arg1[%get3A, %get3A_0] : memref<10112x128xf32, #tpu.memory_space<vmem>>, vector<10112x128xf32>
    %get3A_2 = arith.constant 0 : index
    %get3A_3 = arith.constant 0 : index
    %get3A_4 = vector.load %arg2[%get3A_2, %get3A_3] : memref<128x128xf32, #tpu.memory_space<vmem>>, vector<128x128xf32>
    %dot_general3A = arith.constant dense<0.000000e+00> : vector<10112x128xf32>
    %dot_general3A_5 = tpu.matmul %get3A_1, %get3A_4, %dot_general3A {dimension_numbers = #tpu.dot_dimension_numbers<[1], [0], [0], [1], [0, 0, 1, 1], [], []>, transpose_lhs_hint = false} : vector<10112x128xf32>, vector<128x128xf32>, vector<10112x128xf32> -> vector<10112x128xf32>
    %get3A_6 = arith.constant 0 : index
    %get3A_7 = arith.constant 0 : index
    %get3A_8 = arith.constant 0 : index
    %get3A_9 = vector.load %arg0[%get3A_6, %get3A_7, %get3A_8] : memref<2x10112x128xf32, #tpu.memory_space<vmem>>, vector<2x10112x128xf32>
    %slice3A = vector.extract_strided_slice %get3A_9 {offsets = [0, 0, 0], sizes = [1, 10112, 128], strides = [1, 1, 1]} : vector<2x10112x128xf32> to vector<1x10112x128xf32>
    %squeeze3A = vector.shape_cast %slice3A : vector<1x10112x128xf32> to vector<10112x128xf32>
    %slice3A_10 = vector.extract_strided_slice %get3A_9 {offsets = [1, 0, 0], sizes = [1, 10112, 128], strides = [1, 1, 1]} : vector<2x10112x128xf32> to vector<1x10112x128xf32>
    %squeeze3A_11 = vector.shape_cast %slice3A_10 : vector<1x10112x128xf32> to vector<10112x128xf32>
    %add3A = arith.addf %squeeze3A, %squeeze3A_11 : vector<10112x128xf32>
    %max3A = arith.constant 1.000000e+00 : f32
    %max3A_12 = vector.broadcast %max3A : f32 to vector<10112x128xf32>
    %max3A_13 = arith.maximumf %add3A, %max3A_12 : vector<10112x128xf32>
    %rsqrt3A = math.rsqrt %max3A_13 : vector<10112x128xf32>
    %mul3A = arith.mulf %dot_general3A_5, %rsqrt3A : vector<10112x128xf32>
    %swap3A = arith.constant 0 : index
    %swap3A_14 = arith.constant 0 : index
    %swap3A_15 = vector.load %arg3[%swap3A, %swap3A_14] : memref<10112x128xf32, #tpu.memory_space<vmem>>, vector<10112x128xf32>
    tpu.vector_store %arg3[%swap3A, %swap3A_14], %mul3A {strides = array<i32>} : memref<10112x128xf32, #tpu.memory_space<vmem>>, vector<10112x128xf32>,
    return
  }
}

module attributes {stable_mosaic.version = 14 : i64} {
  func.func @_tc_c_body(%arg0: memref<2x10112x128xf32, #tpu.memory_space<vmem>>, %arg1: memref<2x10112x128xf32, #tpu.memory_space<vmem>>, %arg2: memref<128xf32, #tpu.memory_space<vmem>>, %arg3: memref<10000x128xf32, #tpu.memory_space<vmem>>) attributes {dimension_semantics = [], scalar_prefetch = 0 : i64, scratch_operands = 0 : i64, tpu.core_type = #tpu.core_type<tc>} {
    %get3A = arith.constant 0 : index
    %get3A_0 = arith.constant 0 : index
    %get3A_1 = arith.constant 0 : index
    %get3A_2 = vector.load %arg0[%get3A, %get3A_0, %get3A_1] : memref<2x10112x128xf32, #tpu.memory_space<vmem>>, vector<2x10112x128xf32>
    %slice3A = vector.extract_strided_slice %get3A_2 {offsets = [0, 0, 0], sizes = [1, 10112, 128], strides = [1, 1, 1]} : vector<2x10112x128xf32> to vector<1x10112x128xf32>
    %squeeze3A = vector.shape_cast %slice3A : vector<1x10112x128xf32> to vector<10112x128xf32>
    %slice3A_3 = vector.extract_strided_slice %get3A_2 {offsets = [1, 0, 0], sizes = [1, 10112, 128], strides = [1, 1, 1]} : vector<2x10112x128xf32> to vector<1x10112x128xf32>
    %squeeze3A_4 = vector.shape_cast %slice3A_3 : vector<1x10112x128xf32> to vector<10112x128xf32>
    %add3A = arith.addf %squeeze3A, %squeeze3A_4 : vector<10112x128xf32>
    %max3A = arith.constant 1.000000e+00 : f32
    %max3A_5 = vector.broadcast %max3A : f32 to vector<10112x128xf32>
    %max3A_6 = arith.maximumf %add3A, %max3A_5 : vector<10112x128xf32>
    %rsqrt3A = math.rsqrt %max3A_6 : vector<10112x128xf32>
    %get3A_7 = arith.constant 0 : index
    %get3A_8 = arith.constant 0 : index
    %get3A_9 = arith.constant 0 : index
    %get3A_10 = vector.load %arg1[%get3A_7, %get3A_8, %get3A_9] : memref<2x10112x128xf32, #tpu.memory_space<vmem>>, vector<1x10112x128xf32>
    %get3A_11 = vector.shape_cast %get3A_10 : vector<1x10112x128xf32> to vector<10112x128xf32>
    %get3A_12 = arith.constant 1 : index
    %get3A_13 = arith.constant 0 : index
    %get3A_14 = arith.constant 0 : index
    %get3A_15 = vector.load %arg1[%get3A_12, %get3A_13, %get3A_14] : memref<2x10112x128xf32, #tpu.memory_space<vmem>>, vector<1x10112x128xf32>
    %get3A_16 = vector.shape_cast %get3A_15 : vector<1x10112x128xf32> to vector<10112x128xf32>
    %add3A_17 = arith.addf %get3A_11, %get3A_16 : vector<10112x128xf32>
    %mul3A = arith.mulf %add3A_17, %rsqrt3A : vector<10112x128xf32>
    %slice3A_18 = vector.extract_strided_slice %mul3A {offsets = [0, 0], sizes = [10000, 128], strides = [1, 1]} : vector<10112x128xf32> to vector<10000x128xf32>
    %get3A_19 = arith.constant 0 : index
    %get3A_20 = vector.load %arg2[%get3A_19] : memref<128xf32, #tpu.memory_space<vmem>>, vector<128xf32>
    %broadcast_in_dim3A = vector.shape_cast %get3A_20 : vector<128xf32> to vector<1x128xf32>
    %add3A_21 = vector.broadcast %broadcast_in_dim3A : vector<1x128xf32> to vector<10000x128xf32>
    %add3A_22 = arith.addf %slice3A_18, %add3A_21 : vector<10000x128xf32>
    %swap3A = arith.constant 0 : index
    %swap3A_23 = arith.constant 0 : index
    %swap3A_24 = vector.load %arg3[%swap3A, %swap3A_23] : memref<10000x128xf32, #tpu.memory_space<vmem>>, vector<10000x128xf32>
    tpu.vector_store %arg3[%swap3A, %swap3A_23], %add3A_22 {strides = array<i32>} : memref<10000x128xf32, #tpu.memory_space<vmem>>, vector<10000x128xf32>,
    return
  }
}

</mosaic_0001>

<sc_bundles>
// kernel: kernel.11.cloned.1.call-start
scs
__scs_entry_jumppad:
0x0: {  	(pc) =	sbr.rel $0x88, $3  }
0x1: {  	(tag) =	ssettag $0x0;
	lr =	simm.s32 $0x1  }
0x2: {  	[smem:$0x3F9B] =	sst lr;
	_ =	strace $0xD0000000  }
0x3: {  	_ = 	snop  }
0x4: {  	_ = 	snop  }
0x5: {  	_ = 	snop  }
0x6: {  	_ = 	snop  }
0x7: {  	_ = 	snop  }
__scs_overlays_trampoline_lowered:
0x8: {  	[smem:$0x3FAA] =	sst s0  }
0x9: {  	[smem:$0x3FAB] =	sst s1  }
0xa: {  	[smem:$0x3FAC] =	sst s2  }
0xb: {  	[smem:$0x3FAD] =	sst s3  }
0xc: {  	[smem:$0x3FAE] =	sst s4  }
0xd: {  	[smem:$0x3FAF] =	sst s5  }
0xe: {  	[smem:$0x3FB0] =	sst s6  }
0xf: {  	[smem:$0x3FB1] =	sst s7  }
0x10: {  	[smem:$0x3FB2] =	sst s8  }
0x11: {  	[smem:$0x3FB3] =	sst s9;
	s0 =	simm.s32 @!p0 $0x0  }
0x12: {  	s1 =	sld [smem:$0x3F99];
	s0 =	simm.s32 @p0 $0x1  }
0x13: {  	[smem:$0x3FB4] =	sst s0;
	s0 =	simm.s32 @!p1 $0x0  }
0x14: {  	s2 =	sld [smem:$0x3F98];
	s0 =	simm.s32 @p1 $0x1  }
0x15: {  	[smem:$0x3FB5] =	sst s0;
	s0 =	simm.s32 @!p2 $0x0  }
0x16: {  	s3 =	sld [smem:$0x3FDB];
	s0 =	simm.s32 @p2 $0x1  }
0x17: {  	s4 =	simm.s32 $0x1BF5;
	[smem:$0x3FB7] =	sst s0  }
0x18: {  	s0 =	sld [smem:$0x3F9A];
	_ =	swait.ge [sflag:s4], $0x0  }
0x19: {  	s7 =	sld [smem:$0x3F9B]  }
0x1a: {  	s8 =	sadd.s32 $0xFFFFE003, lr  }
0x1b: {  	s9 =	sadd.s32 $0xFFFFFEF7, lr;
	s5 =	simm.s32 $0xFFFFFFFF;
	p2 =	slt.u32 s8, $0xFFFFF086  }
0x1c: {  	p1 =	slt.u32 s9, $0xF7A;
	s5 =	simm.s32 @!p2 $0x0  }
0x1d: {  	s5 =	simm.s32 @p1 $0x1;
	p0 =	seq.s32 s7, s2  }
0x1e: {  	s7 =	smul.u32 @!p0 $0xF7A, s2;
	p2 =	seq.s32 @!p0 s5, $0x0  }
0x1f: {  	s9 =	smul.u32 $0xF7A, s1;
	s8 =	simm.s32 @!p0 $0x1BF5;
	p2 =	por !p2, p0  }
0x20: {  	[sflag:s8] =	ssyncset.s32 @!p0 $0xFFFFF086;
	s6 =	sadd.s32 @!p0 s3, s7;
	s7 =	simm.s32 @!p0 $0x108  }
0x21: {  	s3 =	sadd.s32 s3, s9;
	s6 =	sadd.s32 @!p0 $0x88, s6;
	s7 =	simm.s32 @p2 $0x1082  }
0x22: {  	[simem:s7], [sflag:s8] =	dma.local @!p0 [hbm:s6], $0xF7A  }
0x23: {  	s9 =	sor.u32 $0xD0000000, s2;
	s6 =	simm.s32 $0x108;
	_ =	swait.ge @!p0 [sflag:s8], $0x0  }
0x24: {  	s3 =	sadd.s32 $0x88, s3;
	s6 =	simm.s32 @!p1 $0x1082;
	[sflag:s4] =	ssyncset.s32 $0xFFFFF086  }
0x25: {  	[simem:s6], [sflag:s4] =	dma.local [hbm:s3], $0xF7A  }
0x26: {  	[smem:$0x3F9B] =	sst s1;
	(tag) =	ssettag s2;
	_ =	strace s9  }
0x27: {  	s1 =	sld [smem:$0x3FAB]  }
0x28: {  	s2 =	sld [smem:$0x3FAC]  }
0x29: {  	s4 =	sld [smem:$0x3FAE]  }
0x2a: {  	p0 =	seq.s32 s5, $0x0;
	s5 =	sld [smem:$0x3FAF]  }
0x2b: {  	s6 =	sld [smem:$0x3FB0]  }
0x2c: {  	s7 =	sld [smem:$0x3FB1]  }
0x2d: {  	s3 =	simm.s32 $0x108;
	s8 =	sld [smem:$0x3FB2]  }
0x2e: {  	s3 =	simm.s32 @!p0 $0x1082;
	s9 =	sld [smem:$0x3FB3]  }
0x2f: {  	lr =	sadd.s32 s0, s3;
	s0 =	sld [smem:$0x3FAA]  }
0x30: {  	s3 =	sld [smem:$0x3FAD]  }
0x31: {  	[smem:$0x3FB6] =	sst s10  }
0x32: {  	s10 =	sld [smem:$0x3FB4];
	_ =	sdelay $0x3  }
0x33: {  	p0 =	seq.s32 s10, $0x1;
	s10 =	sld [smem:$0x3FB6];
	_ =	sdelay $0x3  }
0x34: {  	[smem:$0x3FB6] =	sst s10  }
0x35: {  	s10 =	sld [smem:$0x3FB5];
	_ =	sdelay $0x3  }
0x36: {  	p1 =	seq.s32 s10, $0x1;
	s10 =	sld [smem:$0x3FB6];
	_ =	sdelay $0x3  }
0x37: {  	[smem:$0x3FB6] =	sst s10  }
0x38: {  	s10 =	sld [smem:$0x3FB7]  }
0x39: {  	_ = 	snop;
	(pc) =	sbr.ind lr, $3  }
0x3a: {  	_ = 	snop  }
0x3b: {  	_ = 	snop  }
0x3c: {  	p2 =	seq.s32 s10, $0x1;
	s10 =	sld [smem:$0x3FB6]  }
0x3d: {  	_ =	shalt  }
0x3e: {  	_ =	shalt  }
0x3f: {  	_ =	shalt  }
0x40: {  	_ =	shalt  }
0x41: {  	_ =	shalt  }
0x42: {  	_ =	shalt  }
0x43: {  	_ =	shalt  }
0x44: {  	_ =	shalt  }
0x45: {  	_ =	shalt  }
0x46: {  	_ =	shalt  }
0x47: {  	_ =	shalt  }
0x48: {  	_ =	shalt  }
0x49: {  	_ =	shalt  }
0x4a: {  	_ =	shalt  }
0x4b: {  	_ =	shalt  }
0x4c: {  	_ =	shalt  }
0x4d: {  	_ =	shalt  }
0x4e: {  	_ =	shalt  }
0x4f: {  	_ =	shalt  }
0x50: {  	_ =	shalt  }
0x51: {  	_ =	shalt  }
0x52: {  	_ =	shalt  }
0x53: {  	_ =	shalt  }
0x54: {  	_ =	shalt  }
0x55: {  	_ =	shalt  }
0x56: {  	_ =	shalt  }
0x57: {  	_ =	shalt  }
0x58: {  	_ =	shalt  }
0x59: {  	_ =	shalt  }
0x5a: {  	_ =	shalt  }
0x5b: {  	_ =	shalt  }
0x5c: {  	_ =	shalt  }
0x5d: {  	_ =	shalt  }
0x5e: {  	_ =	shalt  }
0x5f: {  	_ =	shalt  }
0x60: {  	_ =	shalt  }
0x61: {  	_ =	shalt  }
0x62: {  	_ =	shalt  }
0x63: {  	_ =	shalt  }
0x64: {  	_ =	shalt  }
0x65: {  	_ =	shalt  }
0x66: {  	_ =	shalt  }
0x67: {  	_ =	shalt  }
0x68: {  	_ =	shalt  }
0x69: {  	_ =	shalt  }
0x6a: {  	_ =	shalt  }
0x6b: {  	_ =	shalt  }
0x6c: {  	_ =	shalt  }
0x6d: {  	_ =	shalt  }
0x6e: {  	_ =	shalt  }
0x6f: {  	_ =	shalt  }
0x70: {  	_ =	shalt  }
0x71: {  	_ =	shalt  }
0x72: {  	_ =	shalt  }
0x73: {  	_ =	shalt  }
0x74: {  	_ =	shalt  }
0x75: {  	_ =	shalt  }
0x76: {  	_ =	shalt  }
0x77: {  	_ =	shalt  }
0x78: {  	_ =	shalt  }
0x79: {  	_ =	shalt  }
0x7a: {  	_ =	shalt  }
0x7b: {  	_ =	shalt  }
0x7c: {  	_ =	shalt  }
0x7d: {  	_ =	shalt  }
0x7e: {  	_ =	shalt  }
0x7f: {  	_ =	shalt  }
0x80: {  	_ =	shalt  }
0x81: {  	_ =	shalt  }
0x82: {  	_ =	shalt  }
0x83: {  	_ =	shalt  }
0x84: {  	_ =	shalt  }
0x85: {  	_ =	shalt  }
0x86: {  	_ =	shalt  }
0x87: {  	_ =	shalt  }
.Lfunc_end0:
.L_simem_size_0:
called_computation.1_lowered:
.L_overlay_start_0:
0x88: {  	s2 =	sld [smem:$0x3FD9]  }
0x89: {  	s3 =	sld [smem:$0x3FFE];
	_ =	sdelay $0x1  }
0x8a: {  	s1 =	srdreg.scid  }
0x8b: {  	s0 =	sand.u32 $0x1, s1  }
0x8c: {  	s16 =	sshll.u32 s0, $0xA;
	s2 =	sadd.s32 s3, s2  }
0x8d: {  	s2 =	sadd.s32 s2, s16  }
0x8e: {  	[smem:$0x3FC2] =	sst s2  }
0x8f: {  	_ = 	snop  }
0x90: {  	(tm) =	ssettm $0x1  }
0x91: {  	s17 =	sld [smem:$0x3FFB];
	_ =	sdelay $0x3  }
0x92: {  	_ =	strace s17  }
0x93: {  	s2 =	sld [smem:$0x3FFC];
	_ =	sdelay $0x3  }
0x94: {  	_ =	strace s2  }
0x95: {  	s2 =	sld [smem:$0x3FFD];
	_ =	sdelay $0x3  }
0x96: {  	_ =	strace s2  }
0x97: {  	_ =	strace $0x8FFFFFFF  }
0x98: {  	s18 =	sld [smem:$0x3FDB];
	_ =	sdelay $0x1  }
0x99: {  	s19 =	simm.s32 $_scs_section_size  }
0x9a: {  	s4 =	simm.s32 $_size__tile_overlayer_lowered;
	s5 =	simm.s32 $_tile_overlayer_lowered  }
0x9b: {  	s22 =	simm.s32 $0x1BFF;
	s21 =	sshll.u32 s5, $0x1;
	s2 =	sadd.s32 s19, s18  }
0x9c: {  	s6 =	simm.s32 $0x0;
	s20 =	sshll.u32 s4, $0x1;
	s4 =	sadd.s32 s21, s2  }
0x9d: {  	[timem:s6], [sflag:s22] =	dma.local [hbm:s4], s20  }
0x9e: {  	_ =	swait.ge [sflag:s22], s20  }
0x9f: {  	s3 =	ssub.s32 $0x0, s20;
	[sflag:s22] =	ssyncset.done $0x0  }
0xa0: {  	[sflag:s22] =	ssyncadd.s32 s3;
	_ =	sdelay $0x1  }
0xa1: {  	s23 =	simm.s32 $0x1B8B  }
0xa2: {  	_ =	swait.ge [sflag:s23], $0x1  }
0xa3: {  	[sflag:s23] =	ssyncset.done $0x0  }
0xa4: {  	s25 =	simm.s32 $0x1B8E;
	s24 =	sld [smem:$0x3FFE];
	[sflag:s23] =	ssyncadd.s32 $0xFFFFFFFF  }
0xa5: {  	s26 =	simm.s32 $execute0_lowered;
	[smem:$0x3FD2] =	sst s25  }
0xa6: {  	s4 =	sshll.u32 s26, $0x1;
	_ =	strace $0x80000049;
	[dreg:$0x1] =	wrdreg $0xFFFFFFFF  }
0xa7: {  	s28 =	simm.s32 $_size_execute0_lowered;
	s2 =	sadd.s32 s2, s4;
	[dreg:$0x0] =	wrdreg $0x0  }
0xa8: {  	s4 =	sshll.u32 s28, $0x1;
	[dreg:$0x2] =	wrdreg s2  }
0xa9: {  	[dreg:$0x3] =	wrdreg s4  }
0xaa: {  	[dreg:$0x4] =	wrdreg $0xC0  }
0xab: {  	_ =	task [dreg:s6], $0x5FFFF  }
0xac: {  	[dreg:$0x1] =	wrdreg $0xFFFFFFFF  }
0xad: {  	[dreg:$0x0] =	wrdreg $0x60  }
0xae: {  	[dreg:$0x2] =	wrdreg s24  }
0xaf: {  	[dreg:$0x3] =	wrdreg $0x82000  }
0xb0: {  	[dreg:$0x4] =	wrdreg $0x9  }
0xb1: {  	_ =	task.clear_ibuf [dreg:s6], $0x5FFFF;
	_ =	strace $0x90000049  }
0xb2: {  	s29 =	simm.s32 $0x9;
	_ =	strace $0x8000004B  }
0xb3: {  	_ =	swait.ge [sflag:s29], $0x1  }
0xb4: {  	[sflag:s29] =	ssyncadd.s32 $0xFFFFFFFF  }
0xb5: {  	_ =	strace $0x9000004B  }
0xb6: {  	_ =	sfence  }
0xb7: {  	s30 =	sld [smem:$0x0];
	_ =	sdelay $0x2  }
0xb8: {  	s31 =	sshll.u32 s1, $0xD;
	s1 =	sshrl.u32 s1, $0x2  }
0xb9: {  	s3 =	sand.u32 $0x4000, s31;
	s1 =	sadd.s32 s1, s30  }
0xba: {  	s0 =	sor.u32 s3, s0;
	s1 =	sshll.u32 s1, $0x11  }
0xbb: {  	s0 =	sor.u32 s1, s0  }
0xbc: {  	s0 =	sadd.s32 $0x8F2B, s0  }
0xbd: {  	[sflag:s0] =	ssyncadd.remote.s32 $0x1  }
0xbe: {  	_ =	sfence.sel $0xFFFF  }
0xbf: {  	[dreg:$0x0] =	wrdreg $0xFFFFFFFF;
	(pc) =	sbr.abs _section_cstart, $3  }
0xc0: {  	[dreg:$0x1] =	wrdreg $0xFFFFFFFF  }
0xc1: {  	_ =	task.clear_ibuf [dreg:s6], $0x2FFFF;
	_ =	strace $0x9FFFFFFF  }
0xc2: {  	(tm) =	ssettm $0x7FFFFFFF  }
0xc3: {  	_ =	shalt  }
tec
execute0_lowered:
.L_overlay_start_1:
0x0: {  	(tag) =	ssettag $0x1  }
0x1: {  	s0 =	rddreg [dreg:$0x0]  }
0x2: {  	s2 =	rddreg [dreg:$0x1];
	s3 =	simm.s32 $0x0;
	s14 =	stileid.u32  }
0x3: {  	s1 =	srdreg.scid;
	s28 =	simm.s32 $0x200;
	s29 =	simm.s32 $0x2  }
0x4: {  	s30 =	simm.s32 $0x4200;
	s31 =	simm.s32 $0x5;
	s5 =	smul.u32 $0x13C00, s14  }
0x5: {  	[smem:$0x7FF] =	sst s3;
	s1 =	sand.u32 $0x1, s1;
	s13 =	smul.u32 $0x4F000, s14  }
0x6: {  	s4 =	sadd.s32 $0x34200, s0;
	s8 =	sadd.s32 $0x83200, s0;
	s11 =	smul.u32 $0x4200, s14  }
0x7: {  	s9 =	sadd.s32 $0x1E00, s0;
	s12 =	sshll.u32 s14, $0x9;
	s25 =	smul.u32 $0x840, s14  }
0x8: {  	s16 =	sshll.u32 s14, $0x6;
	_ =	strace $0x8000004A;
	s6 =	smul.u32 $0x13C000, s1  }
0x9: {  	s10 =	ssub.s32 $0x2, s1;
	p0 =	seq.s32 s1, $0x1;
	s20 =	sadd.s32 $0x8400, s12  }
0xa: {  	s24 =	sadd.s32 $0x8410, s12;
	s7 =	sshrl.u32 s5, $0x3;
	s15 =	sshrl.u32 s10, $0x1  }
0xb: {  	s11 =	sand.u32 $0x3FC00, s11;
	s22 =	sadd.s32 s8, s20;
	s23 =	sadd.s32 s9, s20  }
0xc: {  	s26 =	sadd.s32 s8, s24;
	s20 =	sadd.s32 s12, s8;
	s7 =	sadd.s32 s7, s0  }
0xd: {  	s5 =	sadd.s32 s5, s6;
	s6 =	sshrl.u32 s13, $0x2;
	[dreg:$0x7] =	wrdreg s22  }
0xe: {  	s13 =	sand.u32 $0x200, s12;
	s10 =	ssub.s32 s10, s15;
	[dreg:$0x8] =	wrdreg s23  }
0xf: {  	[dreg:$0x9] =	wrdreg s26;
	s15 =	sadd.s32 s9, s24;
	s22 =	simm.s32 $0x7  }
0x10: {  	s23 =	simm.s32 $0x100;
	s24 =	simm.s32 $0x80;
	s5 =	sshrl.u32 s5, $0x3  }
0x11: {  	s26 =	simm.s32 $0x1;
	s11 =	sor.u32 s13, s11;
	s0 =	sadd.s32 s5, s0  }
0x12: {  	s5 =	sadd.s32 s6, s2;
	s6 =	sadd.s32 $0xCA00, s7;
	s11 =	sshrl.u32 s11, $0x3  }
0x13: {  	s7 =	sor.u32 $0x1C07, s16;
	s17 =	sadd.s32 s8, s11;
	s18 =	sadd.s32 s9, s11  }
0x14: {  	s19 =	sor.u32 $0x10, s11;
	s16 =	sadd.s32 $0x8D600, s0;
	[dreg:$0x3] =	wrdreg s17  }
.Ltmp0:
0x15: {  	s0 =	simm.s32 $0x3;
	[dreg:$0x4] =	wrdreg s18;
	(pc) =	sbr.rel .LBB2_1-.Ltmp0, $4  }
0x16: {  	s21 =	sadd.s32 s8, s19;
	s1 =	sadd.s32 s9, s19;
	s17 =	smax.u32 s10, $0x1  }
0x17: {  	s18 =	sadd.s32 s25, s8;
	s19 =	sadd.s32 s25, s9;
	[dreg:$0x5] =	wrdreg s21  }
0x18: {  	s25 =	simm.s32 $0x180;
	s8 =	simm.s32 $0x4;
	[dreg:$0x6] =	wrdreg s1  }
0x19: {  	s21 =	sadd.s32 s12, s9;
	s1 =	simm.s32 $0x6;
	s9 =	simm.s32 $0x0  }
.LBB2_7:
0x1a: {  	[tilespmem:s25], [sflag:$0x4] =	stream.linear.gather [hbm4b:s12+s3], $0x80, $0x38;
	[tilespmem:$0x1BE00] =	vst v63  }
.LBB2_8:
0x1b: {  	_ =	swait.ge [sflag:s26], $0x80  }
0x1c: {  	[sflag:s26] =	ssyncset.done $0x0  }
0x1d: {  	[sflag:s26] =	ssyncadd.s32 $0xFFFFFF80  }
0x1e: {  	[tilespmem:s28], [sflag:$0x5] =	stream.indirect.gather [hbm4b:s4+s24], $0x80, s3, s24, $0xb8;
	[tilespmem:$0x1BE00] =	vst v63  }
0x1f: {  	_ =	swait.ge [sflag:s29], $0x80  }
0x20: {  	[sflag:s29] =	ssyncset.done $0x0  }
0x21: {  	[sflag:s29] =	ssyncadd.s32 $0xFFFFFF80  }
0x22: {  	[tilespmem:s30], [sflag:$0x6] =	stream.indirect.gather [hbm4b:s4+s24], $0x80, s24, s24, $0xb8;
	[tilespmem:$0x1BE00] =	vst v63  }
0x23: {  	_ =	swait.ge [sflag:s31], $0x4000  }
0x24: {  	[sflag:s31] =	ssyncset.done $0x0  }
0x25: {  	[sflag:s31] =	ssyncadd.s32 $0xFFFFC000  }
0x26: {  	_ =	swait.ge [sflag:s0], $0x80  }
0x27: {  	[sflag:s0] =	ssyncset.done $0x0  }
0x28: {  	[sflag:s0] =	ssyncadd.s32 $0xFFFFFF80  }
0x29: {  	[spmem:s2] =	stream.indirect.scatter.add.f32 [tilespmem:s28], [sflag:$0x7], $0x80, s23, s24, $0xb8;
	[tilespmem:$0x1BE00] =	vst v63  }
0x2a: {  	_ =	swait.ge [sflag:s22], $0x4000  }
0x2b: {  	[sflag:s22] =	ssyncset.done $0x0  }
0x2c: {  	[sflag:s22] =	ssyncadd.s32 $0xFFFFC000  }
0x2d: {  	_ =	swait.ge [sflag:s1], $0x4000  }
0x2e: {  	[sflag:s1] =	ssyncset.done $0x0  }
0x2f: {  	[sflag:s1] =	ssyncadd.s32 $0xFFFFC000  }
0x30: {  	_ =	swait.ge [sflag:s8], $0x80  }
0x31: {  	[sflag:s8] =	ssyncset.done $0x0  }
0x32: {  	[sflag:s8] =	ssyncadd.s32 $0xFFFFFF80  }
0x33: {  	[spmem:s2] =	stream.indirect.scatter.add.f32 [tilespmem:s30], [sflag:$0x7], $0x80, s25, s24, $0xb8;
	[tilespmem:$0x1BE00] =	vst v63  }
0x34: {  	_ =	swait.ge [sflag:s22], $0x4000  }
0x35: {  	s9 =	sadd.s32 $0x1, s9;
	[sflag:s22] =	ssyncset.done $0x0  }
0x36: {  	p1 =	sne.s32 s9, s17;
	[sflag:s22] =	ssyncadd.s32 $0xFFFFC000  }
.Ltmp1:
0x37: {  	[bflag:$0x0] =	sbarrier.arrive $0xFFFF;
	(pc) =	sbr.rel @!p1 .LBB2_9-.Ltmp1, $4  }
0x38: {  	[hbm:s16], [sflag:s7] =	dma.local [spmem:s10], $0x2780  }
0x39: {  	_ =	swait.ge [sflag:s22], $0x2780  }
0x3a: {  	[sflag:s22] =	ssyncset.done $0x0  }
0x3b: {  	[sflag:s22] =	ssyncadd.s32 $0xFFFFD880  }
.LBB2_1:
.Ltmp2:
0x3c: {  	s10 =	sshrl.u32 s5, $0x3;
	(pc) =	sbr.rel @!p0 .LBB2_2-.Ltmp2, $4  }
0x3d: {  	[spmem:s10], [sflag:s7] =	dma.local [hbm:s6], $0x2780  }
0x3e: {  	_ =	swait.ge [sflag:s22], $0x2780  }
0x3f: {  	[sflag:s22] =	ssyncset.done $0x0  }
0x40: {  	[sflag:s22] =	ssyncadd.s32 $0xFFFFD880  }
0x41: {  	s11 =	rddreg [dreg:$0x7]  }
0x42: {  	[tilespmem:s3], [sflag:$0x1] =	stream.linear.gather [hbm4b:s11+s3], $0x80, $0x38;
	[tilespmem:$0x1BE00] =	vst v63  }
0x43: {  	s12 =	rddreg [dreg:$0x8]  }
0x44: {  	[tilespmem:s23], [sflag:$0x3] =	stream.linear.gather [hbm4b:s12+s3], $0x80, $0x38;
	[tilespmem:$0x1BE00] =	vst v63  }
0x45: {  	s13 =	rddreg [dreg:$0x9]  }
0x46: {  	[tilespmem:s24], [sflag:$0x2] =	stream.linear.gather [hbm4b:s13+s3], $0x80, $0x38;
	[tilespmem:$0x1BE00] =	vst v63  }
0x47: {  	_ = 	snop  }
0x48: {  	[tilespmem:s25], [sflag:$0x4] =	stream.linear.gather [hbm4b:s15+s3], $0x80, $0x38;
	[tilespmem:$0x1BE00] =	vst v63  }
0x49: {  	[bflag:$0x0] =	sbarrier.arrive $0xFFFF  }
0x4a: {  	_ =	swait.ge [sflag:s26], $0x80  }
0x4b: {  	[sflag:s26] =	ssyncset.done $0x0  }
0x4c: {  	[sflag:s26] =	ssyncadd.s32 $0xFFFFFF80  }
0x4d: {  	[tilespmem:s28], [sflag:$0x5] =	stream.indirect.gather [hbm4b:s4+s24], $0x80, s3, s24, $0xb8;
	[tilespmem:$0x1BE00] =	vst v63  }
0x4e: {  	_ =	swait.ge [sflag:s29], $0x80  }
0x4f: {  	[sflag:s29] =	ssyncset.done $0x0  }
0x50: {  	[sflag:s29] =	ssyncadd.s32 $0xFFFFFF80  }
0x51: {  	[tilespmem:s30], [sflag:$0x6] =	stream.indirect.gather [hbm4b:s4+s24], $0x80, s24, s24, $0xb8;
	[tilespmem:$0x1BE00] =	vst v63  }
0x52: {  	_ =	swait.ge [sflag:s31], $0x4000  }
0x53: {  	[sflag:s31] =	ssyncset.done $0x0  }
0x54: {  	[sflag:s31] =	ssyncadd.s32 $0xFFFFC000  }
0x55: {  	_ =	swait.ge [sflag:s0], $0x80  }
0x56: {  	[sflag:s0] =	ssyncset.done $0x0  }
0x57: {  	[sflag:s0] =	ssyncadd.s32 $0xFFFFFF80  }
0x58: {  	[spmem:s2] =	stream.indirect.scatter.add.f32 [tilespmem:s28], [sflag:$0x7], $0x80, s23, s24, $0xb8;
	[tilespmem:$0x1BE00] =	vst v63  }
0x59: {  	_ =	swait.ge [sflag:s22], $0x4000  }
0x5a: {  	s11 =	sadd.s32 $0xFFFFFE20, s20;
	[sflag:s22] =	ssyncset.done $0x0  }
0x5b: {  	s12 =	sadd.s32 $0x8600, s11;
	s13 =	sadd.s32 $0xFFFFFE20, s21;
	[sflag:s22] =	ssyncadd.s32 $0xFFFFC000  }
0x5c: {  	[tilespmem:s3], [sflag:$0x1] =	stream.linear.gather [hbm4b:s12+s3], $0x80, $0x38;
	[tilespmem:$0x1BE00] =	vst v63  }
0x5d: {  	s14 =	sadd.s32 $0x8600, s13  }
0x5e: {  	[tilespmem:s23], [sflag:$0x3] =	stream.linear.gather [hbm4b:s14+s3], $0x80, $0x38;
	[tilespmem:$0x1BE00] =	vst v63  }
0x5f: {  	_ =	swait.ge [sflag:s1], $0x4000  }
0x60: {  	[sflag:s1] =	ssyncset.done $0x0  }
0x61: {  	[sflag:s1] =	ssyncadd.s32 $0xFFFFC000  }
0x62: {  	_ =	swait.ge [sflag:s8], $0x80  }
0x63: {  	[sflag:s8] =	ssyncset.done $0x0  }
0x64: {  	[sflag:s8] =	ssyncadd.s32 $0xFFFFFF80  }
0x65: {  	[spmem:s2] =	stream.indirect.scatter.add.f32 [tilespmem:s30], [sflag:$0x7], $0x80, s25, s24, $0xb8;
	[tilespmem:$0x1BE00] =	vst v63  }
0x66: {  	_ =	swait.ge [sflag:s22], $0x4000  }
0x67: {  	[sflag:s22] =	ssyncset.done $0x0  }
0x68: {  	s11 =	sadd.s32 $0x8610, s11;
	[sflag:s22] =	ssyncadd.s32 $0xFFFFC000  }
0x69: {  	[tilespmem:s24], [sflag:$0x2] =	stream.linear.gather [hbm4b:s11+s3], $0x80, $0x38;
	[tilespmem:$0x1BE00] =	vst v63  }
0x6a: {  	s12 =	sadd.s32 $0x8610, s13;
	s11 =	simm.s32 $0xFFFFFE40  }
.LBB2_6:
0x6b: {  	[tilespmem:s25], [sflag:$0x4] =	stream.linear.gather [hbm4b:s12+s3], $0x80, $0x38;
	[tilespmem:$0x1BE00] =	vst v63  }
0x6c: {  	s12 =	smov.u32 s11  }
0x6d: {  	p1 =	sne.s32 s11, $0xFFFFFFE0;
	s11 =	sadd.s32 $0x20, s11;
	_ =	swait.ge [sflag:s26], $0x80  }
0x6e: {  	[sflag:s26] =	ssyncset.done $0x0  }
0x6f: {  	[sflag:s26] =	ssyncadd.s32 $0xFFFFFF80  }
0x70: {  	[tilespmem:s28], [sflag:$0x5] =	stream.indirect.gather [hbm4b:s4+s24], $0x80, s3, s24, $0xb8;
	[tilespmem:$0x1BE00] =	vst v63  }
0x71: {  	_ =	swait.ge [sflag:s29], $0x80  }
0x72: {  	[sflag:s29] =	ssyncset.done $0x0  }
0x73: {  	[sflag:s29] =	ssyncadd.s32 $0xFFFFFF80  }
0x74: {  	[tilespmem:s30], [sflag:$0x6] =	stream.indirect.gather [hbm4b:s4+s24], $0x80, s24, s24, $0xb8;
	[tilespmem:$0x1BE00] =	vst v63  }
0x75: {  	_ =	swait.ge [sflag:s31], $0x4000  }
0x76: {  	[sflag:s31] =	ssyncset.done $0x0  }
0x77: {  	[sflag:s31] =	ssyncadd.s32 $0xFFFFC000  }
0x78: {  	_ =	swait.ge [sflag:s0], $0x80  }
0x79: {  	[sflag:s0] =	ssyncset.done $0x0  }
0x7a: {  	[sflag:s0] =	ssyncadd.s32 $0xFFFFFF80  }
0x7b: {  	[spmem:s2] =	stream.indirect.scatter.add.f32 [tilespmem:s28], [sflag:$0x7], $0x80, s23, s24, $0xb8;
	[tilespmem:$0x1BE00] =	vst v63  }
0x7c: {  	_ =	swait.ge [sflag:s22], $0x4000  }
0x7d: {  	s13 =	sadd.s32 s12, s20;
	[sflag:s22] =	ssyncset.done $0x0  }
0x7e: {  	s12 =	sadd.s32 s12, s21;
	s14 =	sadd.s32 $0x8600, s13;
	[sflag:s22] =	ssyncadd.s32 $0xFFFFC000  }
0x7f: {  	[tilespmem:s3], [sflag:$0x1] =	stream.linear.gather [hbm4b:s14+s3], $0x80, $0x38;
	[tilespmem:$0x1BE00] =	vst v63  }
0x80: {  	s14 =	sadd.s32 $0x8600, s12  }
0x81: {  	[tilespmem:s23], [sflag:$0x3] =	stream.linear.gather [hbm4b:s14+s3], $0x80, $0x38;
	[tilespmem:$0x1BE00] =	vst v63  }
0x82: {  	_ =	swait.ge [sflag:s1], $0x4000  }
0x83: {  	[sflag:s1] =	ssyncset.done $0x0  }
0x84: {  	[sflag:s1] =	ssyncadd.s32 $0xFFFFC000  }
0x85: {  	_ =	swait.ge [sflag:s8], $0x80  }
0x86: {  	[sflag:s8] =	ssyncset.done $0x0  }
0x87: {  	[sflag:s8] =	ssyncadd.s32 $0xFFFFFF80  }
0x88: {  	[spmem:s2] =	stream.indirect.scatter.add.f32 [tilespmem:s30], [sflag:$0x7], $0x80, s25, s24, $0xb8;
	[tilespmem:$0x1BE00] =	vst v63  }
.Ltmp3:
0x89: {  	_ =	swait.ge [sflag:s22], $0x4000;
	(pc) =	sbr.rel @p1 .LBB2_6-.Ltmp3, $4  }
0x8a: {  	[sflag:s22] =	ssyncset.done $0x0  }
0x8b: {  	s13 =	sadd.s32 $0x8610, s13;
	[sflag:s22] =	ssyncadd.s32 $0xFFFFC000  }
0x8c: {  	[tilespmem:s24], [sflag:$0x2] =	stream.linear.gather [hbm4b:s13+s3], $0x80, $0x38;
	[tilespmem:$0x1BE00] =	vst v63  }
0x8d: {  	s12 =	sadd.s32 $0x8610, s12  }
.Ltmp4:
0x8e: {  	_ = 	snop;
	(pc) =	sbr.rel .LBB2_7-.Ltmp4, $1  }
0x8f: {  	_ =	sdelay $0x3  }
.LBB2_2:
0x90: {  	s11 =	rddreg [dreg:$0x3]  }
0x91: {  	[tilespmem:s3], [sflag:$0x1] =	stream.linear.gather [hbm4b:s11+s3], $0x80, $0x38;
	[tilespmem:$0x1BE00] =	vst v63  }
0x92: {  	s14 =	rddreg [dreg:$0x4]  }
0x93: {  	[tilespmem:s23], [sflag:$0x3] =	stream.linear.gather [hbm4b:s14+s3], $0x80, $0x38;
	[tilespmem:$0x1BE00] =	vst v63  }
0x94: {  	s12 =	rddreg [dreg:$0x5]  }
0x95: {  	[tilespmem:s24], [sflag:$0x2] =	stream.linear.gather [hbm4b:s12+s3], $0x80, $0x38;
	[tilespmem:$0x1BE00] =	vst v63  }
0x96: {  	s13 =	rddreg [dreg:$0x6]  }
0x97: {  	[tilespmem:s25], [sflag:$0x4] =	stream.linear.gather [hbm4b:s13+s3], $0x80, $0x38;
	[tilespmem:$0x1BE00] =	vst v63  }
0x98: {  	[bflag:$0x0] =	sbarrier.arrive $0xFFFF  }
0x99: {  	_ =	swait.ge [sflag:s26], $0x80  }
0x9a: {  	[sflag:s26] =	ssyncset.done $0x0  }
0x9b: {  	[sflag:s26] =	ssyncadd.s32 $0xFFFFFF80  }
0x9c: {  	[tilespmem:s28], [sflag:$0x5] =	stream.indirect.gather [hbm4b:s4+s24], $0x80, s3, s24, $0xb8;
	[tilespmem:$0x1BE00] =	vst v63  }
0x9d: {  	_ =	swait.ge [sflag:s29], $0x80  }
0x9e: {  	[sflag:s29] =	ssyncset.done $0x0  }
0x9f: {  	[sflag:s29] =	ssyncadd.s32 $0xFFFFFF80  }
0xa0: {  	[tilespmem:s30], [sflag:$0x6] =	stream.indirect.gather [hbm4b:s4+s24], $0x80, s24, s24, $0xb8;
	[tilespmem:$0x1BE00] =	vst v63  }
0xa1: {  	_ =	swait.ge [sflag:s31], $0x4000  }
0xa2: {  	[sflag:s31] =	ssyncset.done $0x0  }
0xa3: {  	[sflag:s31] =	ssyncadd.s32 $0xFFFFC000  }
0xa4: {  	_ =	swait.ge [sflag:s0], $0x80  }
0xa5: {  	[sflag:s0] =	ssyncset.done $0x0  }
0xa6: {  	[sflag:s0] =	ssyncadd.s32 $0xFFFFFF80  }
0xa7: {  	[spmem:s2] =	stream.indirect.scatter.add.f32 [tilespmem:s28], [sflag:$0x7], $0x80, s23, s24, $0xb8;
	[tilespmem:$0x1BE00] =	vst v63  }
0xa8: {  	_ =	swait.ge [sflag:s22], $0x4000  }
0xa9: {  	s11 =	sadd.s32 $0xFFFFF7E0, s18;
	[sflag:s22] =	ssyncset.done $0x0  }
0xaa: {  	s12 =	sadd.s32 $0x840, s11;
	s13 =	sadd.s32 $0xFFFFF7E0, s19;
	[sflag:s22] =	ssyncadd.s32 $0xFFFFC000  }
0xab: {  	[tilespmem:s3], [sflag:$0x1] =	stream.linear.gather [hbm4b:s12+s3], $0x80, $0x38;
	[tilespmem:$0x1BE00] =	vst v63  }
0xac: {  	s14 =	sadd.s32 $0x840, s13  }
0xad: {  	[tilespmem:s23], [sflag:$0x3] =	stream.linear.gather [hbm4b:s14+s3], $0x80, $0x38;
	[tilespmem:$0x1BE00] =	vst v63  }
0xae: {  	_ =	swait.ge [sflag:s1], $0x4000  }
0xaf: {  	[sflag:s1] =	ssyncset.done $0x0  }
0xb0: {  	[sflag:s1] =	ssyncadd.s32 $0xFFFFC000  }
0xb1: {  	_ =	swait.ge [sflag:s8], $0x80  }
0xb2: {  	[sflag:s8] =	ssyncset.done $0x0  }
0xb3: {  	[sflag:s8] =	ssyncadd.s32 $0xFFFFFF80  }
0xb4: {  	[spmem:s2] =	stream.indirect.scatter.add.f32 [tilespmem:s30], [sflag:$0x7], $0x80, s25, s24, $0xb8;
	[tilespmem:$0x1BE00] =	vst v63  }
0xb5: {  	_ =	swait.ge [sflag:s22], $0x4000  }
0xb6: {  	[sflag:s22] =	ssyncset.done $0x0  }
0xb7: {  	s11 =	sadd.s32 $0x850, s11;
	[sflag:s22] =	ssyncadd.s32 $0xFFFFC000  }
0xb8: {  	[tilespmem:s24], [sflag:$0x2] =	stream.linear.gather [hbm4b:s11+s3], $0x80, $0x38;
	[tilespmem:$0x1BE00] =	vst v63  }
0xb9: {  	s12 =	sadd.s32 $0x850, s13;
	s11 =	simm.s32 $0xFFFFF800  }
.LBB2_3:
0xba: {  	[tilespmem:s25], [sflag:$0x4] =	stream.linear.gather [hbm4b:s12+s3], $0x80, $0x38;
	[tilespmem:$0x1BE00] =	vst v63  }
0xbb: {  	s12 =	smov.u32 s11  }
0xbc: {  	p1 =	seq.s32 s11, $0xFFFFFFE0;
	s11 =	sadd.s32 $0x20, s11;
	_ =	swait.ge [sflag:s26], $0x80  }
0xbd: {  	[sflag:s26] =	ssyncset.done $0x0  }
0xbe: {  	[sflag:s26] =	ssyncadd.s32 $0xFFFFFF80  }
0xbf: {  	[tilespmem:s28], [sflag:$0x5] =	stream.indirect.gather [hbm4b:s4+s24], $0x80, s3, s24, $0xb8;
	[tilespmem:$0x1BE00] =	vst v63  }
0xc0: {  	_ =	swait.ge [sflag:s29], $0x80  }
0xc1: {  	[sflag:s29] =	ssyncset.done $0x0  }
0xc2: {  	[sflag:s29] =	ssyncadd.s32 $0xFFFFFF80  }
0xc3: {  	[tilespmem:s30], [sflag:$0x6] =	stream.indirect.gather [hbm4b:s4+s24], $0x80, s24, s24, $0xb8;
	[tilespmem:$0x1BE00] =	vst v63  }
0xc4: {  	_ =	swait.ge [sflag:s31], $0x4000  }
0xc5: {  	[sflag:s31] =	ssyncset.done $0x0  }
0xc6: {  	[sflag:s31] =	ssyncadd.s32 $0xFFFFC000  }
0xc7: {  	_ =	swait.ge [sflag:s0], $0x80  }
0xc8: {  	[sflag:s0] =	ssyncset.done $0x0  }
0xc9: {  	[sflag:s0] =	ssyncadd.s32 $0xFFFFFF80  }
0xca: {  	[spmem:s2] =	stream.indirect.scatter.add.f32 [tilespmem:s28], [sflag:$0x7], $0x80, s23, s24, $0xb8;
	[tilespmem:$0x1BE00] =	vst v63  }
0xcb: {  	_ =	swait.ge [sflag:s22], $0x4000  }
0xcc: {  	s13 =	sadd.s32 s12, s18;
	[sflag:s22] =	ssyncset.done $0x0  }
0xcd: {  	s12 =	sadd.s32 s12, s19;
	s14 =	sadd.s32 $0x840, s13;
	[sflag:s22] =	ssyncadd.s32 $0xFFFFC000  }
0xce: {  	[tilespmem:s3], [sflag:$0x1] =	stream.linear.gather [hbm4b:s14+s3], $0x80, $0x38;
	[tilespmem:$0x1BE00] =	vst v63  }
0xcf: {  	s14 =	sadd.s32 $0x840, s12  }
0xd0: {  	[tilespmem:s23], [sflag:$0x3] =	stream.linear.gather [hbm4b:s14+s3], $0x80, $0x38;
	[tilespmem:$0x1BE00] =	vst v63  }
0xd1: {  	_ =	swait.ge [sflag:s1], $0x4000  }
0xd2: {  	[sflag:s1] =	ssyncset.done $0x0  }
0xd3: {  	[sflag:s1] =	ssyncadd.s32 $0xFFFFC000  }
0xd4: {  	_ =	swait.ge [sflag:s8], $0x80  }
0xd5: {  	[sflag:s8] =	ssyncset.done $0x0  }
0xd6: {  	[sflag:s8] =	ssyncadd.s32 $0xFFFFFF80  }
0xd7: {  	[spmem:s2] =	stream.indirect.scatter.add.f32 [tilespmem:s30], [sflag:$0x7], $0x80, s25, s24, $0xb8;
	[tilespmem:$0x1BE00] =	vst v63  }
.Ltmp5:
0xd8: {  	_ =	swait.ge [sflag:s22], $0x4000;
	(pc) =	sbr.rel @!p1 .LBB2_3-.Ltmp5, $4  }
0xd9: {  	[sflag:s22] =	ssyncset.done $0x0  }
0xda: {  	s13 =	sadd.s32 $0x850, s13;
	[sflag:s22] =	ssyncadd.s32 $0xFFFFC000  }
0xdb: {  	[tilespmem:s24], [sflag:$0x2] =	stream.linear.gather [hbm4b:s13+s3], $0x80, $0x38;
	[tilespmem:$0x1BE00] =	vst v63  }
0xdc: {  	s12 =	sadd.s32 $0x850, s12  }
.Ltmp6:
0xdd: {  	(pc) =	sbr.rel .LBB2_8-.Ltmp6, $2  }
0xde: {  	_ =	sdelay $0x2  }
0xdf: {  	[tilespmem:s25], [sflag:$0x4] =	stream.linear.gather [hbm4b:s12+s3], $0x80, $0x38;
	[tilespmem:$0x1BE00] =	vst v63  }
.LBB2_9:
0xe0: {  	_ =	sfence.sel $0x180000  }
0xe1: {  	[bflag:$0x0] =	sbarrier.arrive $0xFFFF  }
0xe2: {  	_ =	strace $0x9000004A  }
0xe3: {  	s0 =	stileid.u32;
	[bflag:$0x2] =	sbarrier.arrive $0xFFFF  }
0xe4: {  	p0 =	sne.s32 s0, $0x0;
	s0 =	rddreg [dreg:$0x2]  }
0xe5: {  	s0 =	sadd.s32 @!p0 $0x100000, s0  }
0xe6: {  	[sflag:s0] =	ssyncadd.tile.s32 @!p0 $0x1;
	_ =	shalt  }
.Lfunc_end2:
_tile_overlayer_lowered:
.L_overlay_start_2:
0xe7: {  	(tag) =	ssettag $0x2  }
0xe8: {  	s0 =	rddreg [dreg:$0x0];
	s2 =	stileid.u32  }
0xe9: {  	s1 =	rddreg [dreg:$0x1];
	p0 =	sne.s32 s2, $0x0  }
0xea: {  	s3 =	rddreg [dreg:$0x2];
	[bflag:$0x3] =	sbarrier.arrive $0xFFFF;
	s2 =	simm.s32 @!p0 $0x1C07  }
0xeb: {  	[timem:s3], [sflag:s2] =	dma.local @!p0 [hbm:s0], s1  }
0xec: {  	s0 =	simm.s32 @!p0 $0x7  }
0xed: {  	_ =	swait.ge @!p0 [sflag:s0], s1  }
0xee: {  	s1 =	ssub.s32 @!p0 $0x0, s1;
	[sflag:s0] =	ssyncset.done @!p0 $0x0  }
0xef: {  	[sflag:s0] =	ssyncadd.s32 @!p0 s1  }
0xf0: {  	[bflag:$0x3] =	sbarrier.arrive $0xFFFF  }
0xf1: {  	_ =	shalt  }

// kernel: kernel.14.cloned.1.call-start
scs
__scs_entry_jumppad:
0x0: {  	(pc) =	sbr.rel $0x88, $3  }
0x1: {  	(tag) =	ssettag $0x0;
	lr =	simm.s32 $0x1  }
0x2: {  	[smem:$0x3F9B] =	sst lr;
	_ =	strace $0xD0000000  }
0x3: {  	_ = 	snop  }
0x4: {  	_ = 	snop  }
0x5: {  	_ = 	snop  }
0x6: {  	_ = 	snop  }
0x7: {  	_ = 	snop  }
__scs_overlays_trampoline_lowered:
0x8: {  	[smem:$0x3FAA] =	sst s0  }
0x9: {  	[smem:$0x3FAB] =	sst s1  }
0xa: {  	[smem:$0x3FAC] =	sst s2  }
0xb: {  	[smem:$0x3FAD] =	sst s3  }
0xc: {  	[smem:$0x3FAE] =	sst s4  }
0xd: {  	[smem:$0x3FAF] =	sst s5  }
0xe: {  	[smem:$0x3FB0] =	sst s6  }
0xf: {  	[smem:$0x3FB1] =	sst s7  }
0x10: {  	[smem:$0x3FB2] =	sst s8  }
0x11: {  	[smem:$0x3FB3] =	sst s9;
	s0 =	simm.s32 @!p0 $0x0  }
0x12: {  	s1 =	sld [smem:$0x3F99];
	s0 =	simm.s32 @p0 $0x1  }
0x13: {  	[smem:$0x3FB4] =	sst s0;
	s0 =	simm.s32 @!p1 $0x0  }
0x14: {  	s2 =	sld [smem:$0x3F98];
	s0 =	simm.s32 @p1 $0x1  }
0x15: {  	[smem:$0x3FB5] =	sst s0;
	s0 =	simm.s32 @!p2 $0x0  }
0x16: {  	s3 =	sld [smem:$0x3FDB];
	s0 =	simm.s32 @p2 $0x1  }
0x17: {  	s4 =	simm.s32 $0x1BF5;
	[smem:$0x3FB7] =	sst s0  }
0x18: {  	s0 =	sld [smem:$0x3F9A];
	_ =	swait.ge [sflag:s4], $0x0  }
0x19: {  	s7 =	sld [smem:$0x3F9B]  }
0x1a: {  	s8 =	sadd.s32 $0xFFFFE003, lr  }
0x1b: {  	s9 =	sadd.s32 $0xFFFFFEF7, lr;
	s5 =	simm.s32 $0xFFFFFFFF;
	p2 =	slt.u32 s8, $0xFFFFF086  }
0x1c: {  	p1 =	slt.u32 s9, $0xF7A;
	s5 =	simm.s32 @!p2 $0x0  }
0x1d: {  	s5 =	simm.s32 @p1 $0x1;
	p0 =	seq.s32 s7, s2  }
0x1e: {  	s7 =	smul.u32 @!p0 $0xF7A, s2;
	p2 =	seq.s32 @!p0 s5, $0x0  }
0x1f: {  	s9 =	smul.u32 $0xF7A, s1;
	s8 =	simm.s32 @!p0 $0x1BF5;
	p2 =	por !p2, p0  }
0x20: {  	[sflag:s8] =	ssyncset.s32 @!p0 $0xFFFFF086;
	s6 =	sadd.s32 @!p0 s3, s7;
	s7 =	simm.s32 @!p0 $0x108  }
0x21: {  	s3 =	sadd.s32 s3, s9;
	s6 =	sadd.s32 @!p0 $0x88, s6;
	s7 =	simm.s32 @p2 $0x1082  }
0x22: {  	[simem:s7], [sflag:s8] =	dma.local @!p0 [hbm:s6], $0xF7A  }
0x23: {  	s9 =	sor.u32 $0xD0000000, s2;
	s6 =	simm.s32 $0x108;
	_ =	swait.ge @!p0 [sflag:s8], $0x0  }
0x24: {  	s3 =	sadd.s32 $0x88, s3;
	s6 =	simm.s32 @!p1 $0x1082;
	[sflag:s4] =	ssyncset.s32 $0xFFFFF086  }
0x25: {  	[simem:s6], [sflag:s4] =	dma.local [hbm:s3], $0xF7A  }
0x26: {  	[smem:$0x3F9B] =	sst s1;
	(tag) =	ssettag s2;
	_ =	strace s9  }
0x27: {  	s1 =	sld [smem:$0x3FAB]  }
0x28: {  	s2 =	sld [smem:$0x3FAC]  }
0x29: {  	s4 =	sld [smem:$0x3FAE]  }
0x2a: {  	p0 =	seq.s32 s5, $0x0;
	s5 =	sld [smem:$0x3FAF]  }
0x2b: {  	s6 =	sld [smem:$0x3FB0]  }
0x2c: {  	s7 =	sld [smem:$0x3FB1]  }
0x2d: {  	s3 =	simm.s32 $0x108;
	s8 =	sld [smem:$0x3FB2]  }
0x2e: {  	s3 =	simm.s32 @!p0 $0x1082;
	s9 =	sld [smem:$0x3FB3]  }
0x2f: {  	lr =	sadd.s32 s0, s3;
	s0 =	sld [smem:$0x3FAA]  }
0x30: {  	s3 =	sld [smem:$0x3FAD]  }
0x31: {  	[smem:$0x3FB6] =	sst s10  }
0x32: {  	s10 =	sld [smem:$0x3FB4];
	_ =	sdelay $0x3  }
0x33: {  	p0 =	seq.s32 s10, $0x1;
	s10 =	sld [smem:$0x3FB6];
	_ =	sdelay $0x3  }
0x34: {  	[smem:$0x3FB6] =	sst s10  }
0x35: {  	s10 =	sld [smem:$0x3FB5];
	_ =	sdelay $0x3  }
0x36: {  	p1 =	seq.s32 s10, $0x1;
	s10 =	sld [smem:$0x3FB6];
	_ =	sdelay $0x3  }
0x37: {  	[smem:$0x3FB6] =	sst s10  }
0x38: {  	s10 =	sld [smem:$0x3FB7]  }
0x39: {  	_ = 	snop;
	(pc) =	sbr.ind lr, $3  }
0x3a: {  	_ = 	snop  }
0x3b: {  	_ = 	snop  }
0x3c: {  	p2 =	seq.s32 s10, $0x1;
	s10 =	sld [smem:$0x3FB6]  }
0x3d: {  	_ =	shalt  }
0x3e: {  	_ =	shalt  }
0x3f: {  	_ =	shalt  }
0x40: {  	_ =	shalt  }
0x41: {  	_ =	shalt  }
0x42: {  	_ =	shalt  }
0x43: {  	_ =	shalt  }
0x44: {  	_ =	shalt  }
0x45: {  	_ =	shalt  }
0x46: {  	_ =	shalt  }
0x47: {  	_ =	shalt  }
0x48: {  	_ =	shalt  }
0x49: {  	_ =	shalt  }
0x4a: {  	_ =	shalt  }
0x4b: {  	_ =	shalt  }
0x4c: {  	_ =	shalt  }
0x4d: {  	_ =	shalt  }
0x4e: {  	_ =	shalt  }
0x4f: {  	_ =	shalt  }
0x50: {  	_ =	shalt  }
0x51: {  	_ =	shalt  }
0x52: {  	_ =	shalt  }
0x53: {  	_ =	shalt  }
0x54: {  	_ =	shalt  }
0x55: {  	_ =	shalt  }
0x56: {  	_ =	shalt  }
0x57: {  	_ =	shalt  }
0x58: {  	_ =	shalt  }
0x59: {  	_ =	shalt  }
0x5a: {  	_ =	shalt  }
0x5b: {  	_ =	shalt  }
0x5c: {  	_ =	shalt  }
0x5d: {  	_ =	shalt  }
0x5e: {  	_ =	shalt  }
0x5f: {  	_ =	shalt  }
0x60: {  	_ =	shalt  }
0x61: {  	_ =	shalt  }
0x62: {  	_ =	shalt  }
0x63: {  	_ =	shalt  }
0x64: {  	_ =	shalt  }
0x65: {  	_ =	shalt  }
0x66: {  	_ =	shalt  }
0x67: {  	_ =	shalt  }
0x68: {  	_ =	shalt  }
0x69: {  	_ =	shalt  }
0x6a: {  	_ =	shalt  }
0x6b: {  	_ =	shalt  }
0x6c: {  	_ =	shalt  }
0x6d: {  	_ =	shalt  }
0x6e: {  	_ =	shalt  }
0x6f: {  	_ =	shalt  }
0x70: {  	_ =	shalt  }
0x71: {  	_ =	shalt  }
0x72: {  	_ =	shalt  }
0x73: {  	_ =	shalt  }
0x74: {  	_ =	shalt  }
0x75: {  	_ =	shalt  }
0x76: {  	_ =	shalt  }
0x77: {  	_ =	shalt  }
0x78: {  	_ =	shalt  }
0x79: {  	_ =	shalt  }
0x7a: {  	_ =	shalt  }
0x7b: {  	_ =	shalt  }
0x7c: {  	_ =	shalt  }
0x7d: {  	_ =	shalt  }
0x7e: {  	_ =	shalt  }
0x7f: {  	_ =	shalt  }
0x80: {  	_ =	shalt  }
0x81: {  	_ =	shalt  }
0x82: {  	_ =	shalt  }
0x83: {  	_ =	shalt  }
0x84: {  	_ =	shalt  }
0x85: {  	_ =	shalt  }
0x86: {  	_ =	shalt  }
0x87: {  	_ =	shalt  }
.Lfunc_end0:
.L_simem_size_0:
called_computation.2_lowered:
.L_overlay_start_0:
0x88: {  	s2 =	sld [smem:$0x3FD9]  }
0x89: {  	s3 =	sld [smem:$0x3FFE];
	_ =	sdelay $0x1  }
0x8a: {  	s1 =	srdreg.scid  }
0x8b: {  	s0 =	sand.u32 $0x1, s1  }
0x8c: {  	s16 =	sshll.u32 s0, $0xA;
	s2 =	sadd.s32 s3, s2  }
0x8d: {  	s2 =	sadd.s32 s2, s16  }
0x8e: {  	[smem:$0x3FC2] =	sst s2  }
0x8f: {  	_ = 	snop  }
0x90: {  	(tm) =	ssettm $0x1  }
0x91: {  	s17 =	sld [smem:$0x3FFB];
	_ =	sdelay $0x3  }
0x92: {  	_ =	strace s17  }
0x93: {  	s2 =	sld [smem:$0x3FFC];
	_ =	sdelay $0x3  }
0x94: {  	_ =	strace s2  }
0x95: {  	s2 =	sld [smem:$0x3FFD];
	_ =	sdelay $0x3  }
0x96: {  	_ =	strace s2  }
0x97: {  	_ =	strace $0x8FFFFFFF  }
0x98: {  	s18 =	sld [smem:$0x3FDB];
	_ =	sdelay $0x1  }
0x99: {  	s19 =	simm.s32 $_scs_section_size  }
0x9a: {  	s4 =	simm.s32 $_size__tile_overlayer_lowered;
	s5 =	simm.s32 $_tile_overlayer_lowered  }
0x9b: {  	s22 =	simm.s32 $0x1BFF;
	s21 =	sshll.u32 s5, $0x1;
	s2 =	sadd.s32 s19, s18  }
0x9c: {  	s6 =	simm.s32 $0x0;
	s20 =	sshll.u32 s4, $0x1;
	s4 =	sadd.s32 s21, s2  }
0x9d: {  	[timem:s6], [sflag:s22] =	dma.local [hbm:s4], s20  }
0x9e: {  	_ =	swait.ge [sflag:s22], s20  }
0x9f: {  	s3 =	ssub.s32 $0x0, s20;
	[sflag:s22] =	ssyncset.done $0x0  }
0xa0: {  	[sflag:s22] =	ssyncadd.s32 s3;
	_ =	sdelay $0x1  }
0xa1: {  	s23 =	simm.s32 $0x1B8B  }
0xa2: {  	_ =	swait.ge [sflag:s23], $0x1  }
0xa3: {  	[sflag:s23] =	ssyncset.done $0x0  }
0xa4: {  	s25 =	simm.s32 $0x1B8E;
	s24 =	sld [smem:$0x3FFE];
	[sflag:s23] =	ssyncadd.s32 $0xFFFFFFFF  }
0xa5: {  	s26 =	simm.s32 $execute0_lowered;
	[smem:$0x3FD2] =	sst s25  }
0xa6: {  	s4 =	sshll.u32 s26, $0x1;
	_ =	strace $0x8000004C;
	[dreg:$0x1] =	wrdreg $0xFFFFFFFF  }
0xa7: {  	s28 =	simm.s32 $_size_execute0_lowered;
	s2 =	sadd.s32 s2, s4;
	[dreg:$0x0] =	wrdreg $0x0  }
0xa8: {  	s4 =	sshll.u32 s28, $0x1;
	[dreg:$0x2] =	wrdreg s2  }
0xa9: {  	[dreg:$0x3] =	wrdreg s4  }
0xaa: {  	[dreg:$0x4] =	wrdreg $0xC0  }
0xab: {  	_ =	task [dreg:s6], $0x5FFFF  }
0xac: {  	[dreg:$0x1] =	wrdreg $0xFFFFFFFF  }
0xad: {  	[dreg:$0x0] =	wrdreg $0x60  }
0xae: {  	[dreg:$0x2] =	wrdreg s24  }
0xaf: {  	[dreg:$0x3] =	wrdreg $0x82000  }
0xb0: {  	[dreg:$0x4] =	wrdreg $0x9  }
0xb1: {  	_ =	task.clear_ibuf [dreg:s6], $0x5FFFF;
	_ =	strace $0x9000004C  }
0xb2: {  	s29 =	simm.s32 $0x9;
	_ =	strace $0x8000004E  }
0xb3: {  	_ =	swait.ge [sflag:s29], $0x1  }
0xb4: {  	[sflag:s29] =	ssyncadd.s32 $0xFFFFFFFF  }
0xb5: {  	_ =	strace $0x9000004E  }
0xb6: {  	_ =	sfence  }
0xb7: {  	s30 =	sld [smem:$0x0];
	_ =	sdelay $0x2  }
0xb8: {  	s31 =	sshll.u32 s1, $0xD;
	s1 =	sshrl.u32 s1, $0x2  }
0xb9: {  	s3 =	sand.u32 $0x4000, s31;
	s1 =	sadd.s32 s1, s30  }
0xba: {  	s0 =	sor.u32 s3, s0;
	s1 =	sshll.u32 s1, $0x11  }
0xbb: {  	s0 =	sor.u32 s1, s0  }
0xbc: {  	s0 =	sadd.s32 $0x8F2B, s0  }
0xbd: {  	[sflag:s0] =	ssyncadd.remote.s32 $0x1  }
0xbe: {  	_ =	sfence.sel $0xFFFF  }
0xbf: {  	[dreg:$0x0] =	wrdreg $0xFFFFFFFF;
	(pc) =	sbr.abs _section_cstart, $3  }
0xc0: {  	[dreg:$0x1] =	wrdreg $0xFFFFFFFF  }
0xc1: {  	_ =	task.clear_ibuf [dreg:s6], $0x2FFFF;
	_ =	strace $0x9FFFFFFF  }
0xc2: {  	(tm) =	ssettm $0x7FFFFFFF  }
0xc3: {  	_ =	shalt  }
tec
execute0_lowered:
.L_overlay_start_1:
0x0: {  	(tag) =	ssettag $0x1  }
0x1: {  	s0 =	rddreg [dreg:$0x0]  }
0x2: {  	s2 =	rddreg [dreg:$0x1];
	s3 =	simm.s32 $0x0;
	s14 =	stileid.u32  }
0x3: {  	s1 =	srdreg.scid;
	s28 =	simm.s32 $0x200;
	s29 =	simm.s32 $0x2  }
0x4: {  	s30 =	simm.s32 $0x4200;
	s31 =	simm.s32 $0x5;
	s5 =	smul.u32 $0x13C00, s14  }
0x5: {  	[smem:$0x7FF] =	sst s3;
	s1 =	sand.u32 $0x1, s1;
	s13 =	smul.u32 $0x4F000, s14  }
0x6: {  	s4 =	sadd.s32 $0x34200, s0;
	s8 =	sadd.s32 $0x83200, s0;
	s11 =	smul.u32 $0x4200, s14  }
0x7: {  	s9 =	sadd.s32 $0x1E00, s0;
	s12 =	sshll.u32 s14, $0x9;
	s25 =	smul.u32 $0x840, s14  }
0x8: {  	s16 =	sshll.u32 s14, $0x6;
	_ =	strace $0x8000004D;
	s6 =	smul.u32 $0x13C000, s1  }
0x9: {  	s10 =	ssub.s32 $0x2, s1;
	p0 =	seq.s32 s1, $0x1;
	s20 =	sadd.s32 $0x8400, s12  }
0xa: {  	s24 =	sadd.s32 $0x8410, s12;
	s7 =	sshrl.u32 s5, $0x3;
	s15 =	sshrl.u32 s10, $0x1  }
0xb: {  	s11 =	sand.u32 $0x3FC00, s11;
	s22 =	sadd.s32 s8, s20;
	s23 =	sadd.s32 s9, s20  }
0xc: {  	s26 =	sadd.s32 s8, s24;
	s20 =	sadd.s32 s12, s8;
	s7 =	sadd.s32 s7, s0  }
0xd: {  	s5 =	sadd.s32 s5, s6;
	s6 =	sshrl.u32 s13, $0x2;
	[dreg:$0x7] =	wrdreg s22  }
0xe: {  	s13 =	sand.u32 $0x200, s12;
	s10 =	ssub.s32 s10, s15;
	[dreg:$0x8] =	wrdreg s23  }
0xf: {  	[dreg:$0x9] =	wrdreg s26;
	s15 =	sadd.s32 s9, s24;
	s22 =	simm.s32 $0x7  }
0x10: {  	s23 =	simm.s32 $0x100;
	s24 =	simm.s32 $0x80;
	s5 =	sshrl.u32 s5, $0x3  }
0x11: {  	s26 =	simm.s32 $0x1;
	s11 =	sor.u32 s13, s11;
	s0 =	sadd.s32 s5, s0  }
0x12: {  	s5 =	sadd.s32 s6, s2;
	s6 =	sadd.s32 $0xCA00, s7;
	s11 =	sshrl.u32 s11, $0x3  }
0x13: {  	s7 =	sor.u32 $0x1C07, s16;
	s17 =	sadd.s32 s8, s11;
	s18 =	sadd.s32 s9, s11  }
0x14: {  	s19 =	sor.u32 $0x10, s11;
	s16 =	sadd.s32 $0x8D600, s0;
	[dreg:$0x3] =	wrdreg s17  }
.Ltmp0:
0x15: {  	s0 =	simm.s32 $0x3;
	[dreg:$0x4] =	wrdreg s18;
	(pc) =	sbr.rel .LBB2_1-.Ltmp0, $4  }
0x16: {  	s21 =	sadd.s32 s8, s19;
	s1 =	sadd.s32 s9, s19;
	s17 =	smax.u32 s10, $0x1  }
0x17: {  	s18 =	sadd.s32 s25, s8;
	s19 =	sadd.s32 s25, s9;
	[dreg:$0x5] =	wrdreg s21  }
0x18: {  	s25 =	simm.s32 $0x180;
	s8 =	simm.s32 $0x4;
	[dreg:$0x6] =	wrdreg s1  }
0x19: {  	s21 =	sadd.s32 s12, s9;
	s1 =	simm.s32 $0x6;
	s9 =	simm.s32 $0x0  }
.LBB2_7:
0x1a: {  	[tilespmem:s25], [sflag:$0x4] =	stream.linear.gather [hbm4b:s12+s3], $0x80, $0x38;
	[tilespmem:$0x1BE00] =	vst v63  }
.LBB2_8:
0x1b: {  	_ =	swait.ge [sflag:s26], $0x80  }
0x1c: {  	[sflag:s26] =	ssyncset.done $0x0  }
0x1d: {  	[sflag:s26] =	ssyncadd.s32 $0xFFFFFF80  }
0x1e: {  	[tilespmem:s28], [sflag:$0x5] =	stream.indirect.gather [hbm4b:s4+s24], $0x80, s3, s24, $0xb8;
	[tilespmem:$0x1BE00] =	vst v63  }
0x1f: {  	_ =	swait.ge [sflag:s29], $0x80  }
0x20: {  	[sflag:s29] =	ssyncset.done $0x0  }
0x21: {  	[sflag:s29] =	ssyncadd.s32 $0xFFFFFF80  }
0x22: {  	[tilespmem:s30], [sflag:$0x6] =	stream.indirect.gather [hbm4b:s4+s24], $0x80, s24, s24, $0xb8;
	[tilespmem:$0x1BE00] =	vst v63  }
0x23: {  	_ =	swait.ge [sflag:s31], $0x4000  }
0x24: {  	[sflag:s31] =	ssyncset.done $0x0  }
0x25: {  	[sflag:s31] =	ssyncadd.s32 $0xFFFFC000  }
0x26: {  	_ =	swait.ge [sflag:s0], $0x80  }
0x27: {  	[sflag:s0] =	ssyncset.done $0x0  }
0x28: {  	[sflag:s0] =	ssyncadd.s32 $0xFFFFFF80  }
0x29: {  	[spmem:s2] =	stream.indirect.scatter.add.f32 [tilespmem:s28], [sflag:$0x7], $0x80, s23, s24, $0xb8;
	[tilespmem:$0x1BE00] =	vst v63  }
0x2a: {  	_ =	swait.ge [sflag:s22], $0x4000  }
0x2b: {  	[sflag:s22] =	ssyncset.done $0x0  }
0x2c: {  	[sflag:s22] =	ssyncadd.s32 $0xFFFFC000  }
0x2d: {  	_ =	swait.ge [sflag:s1], $0x4000  }
0x2e: {  	[sflag:s1] =	ssyncset.done $0x0  }
0x2f: {  	[sflag:s1] =	ssyncadd.s32 $0xFFFFC000  }
0x30: {  	_ =	swait.ge [sflag:s8], $0x80  }
0x31: {  	[sflag:s8] =	ssyncset.done $0x0  }
0x32: {  	[sflag:s8] =	ssyncadd.s32 $0xFFFFFF80  }
0x33: {  	[spmem:s2] =	stream.indirect.scatter.add.f32 [tilespmem:s30], [sflag:$0x7], $0x80, s25, s24, $0xb8;
	[tilespmem:$0x1BE00] =	vst v63  }
0x34: {  	_ =	swait.ge [sflag:s22], $0x4000  }
0x35: {  	s9 =	sadd.s32 $0x1, s9;
	[sflag:s22] =	ssyncset.done $0x0  }
0x36: {  	p1 =	sne.s32 s9, s17;
	[sflag:s22] =	ssyncadd.s32 $0xFFFFC000  }
.Ltmp1:
0x37: {  	[bflag:$0x0] =	sbarrier.arrive $0xFFFF;
	(pc) =	sbr.rel @!p1 .LBB2_9-.Ltmp1, $4  }
0x38: {  	[hbm:s16], [sflag:s7] =	dma.local [spmem:s10], $0x2780  }
0x39: {  	_ =	swait.ge [sflag:s22], $0x2780  }
0x3a: {  	[sflag:s22] =	ssyncset.done $0x0  }
0x3b: {  	[sflag:s22] =	ssyncadd.s32 $0xFFFFD880  }
.LBB2_1:
.Ltmp2:
0x3c: {  	s10 =	sshrl.u32 s5, $0x3;
	(pc) =	sbr.rel @!p0 .LBB2_2-.Ltmp2, $4  }
0x3d: {  	[spmem:s10], [sflag:s7] =	dma.local [hbm:s6], $0x2780  }
0x3e: {  	_ =	swait.ge [sflag:s22], $0x2780  }
0x3f: {  	[sflag:s22] =	ssyncset.done $0x0  }
0x40: {  	[sflag:s22] =	ssyncadd.s32 $0xFFFFD880  }
0x41: {  	s11 =	rddreg [dreg:$0x7]  }
0x42: {  	[tilespmem:s3], [sflag:$0x1] =	stream.linear.gather [hbm4b:s11+s3], $0x80, $0x38;
	[tilespmem:$0x1BE00] =	vst v63  }
0x43: {  	s12 =	rddreg [dreg:$0x8]  }
0x44: {  	[tilespmem:s23], [sflag:$0x3] =	stream.linear.gather [hbm4b:s12+s3], $0x80, $0x38;
	[tilespmem:$0x1BE00] =	vst v63  }
0x45: {  	s13 =	rddreg [dreg:$0x9]  }
0x46: {  	[tilespmem:s24], [sflag:$0x2] =	stream.linear.gather [hbm4b:s13+s3], $0x80, $0x38;
	[tilespmem:$0x1BE00] =	vst v63  }
0x47: {  	_ = 	snop  }
0x48: {  	[tilespmem:s25], [sflag:$0x4] =	stream.linear.gather [hbm4b:s15+s3], $0x80, $0x38;
	[tilespmem:$0x1BE00] =	vst v63  }
0x49: {  	[bflag:$0x0] =	sbarrier.arrive $0xFFFF  }
0x4a: {  	_ =	swait.ge [sflag:s26], $0x80  }
0x4b: {  	[sflag:s26] =	ssyncset.done $0x0  }
0x4c: {  	[sflag:s26] =	ssyncadd.s32 $0xFFFFFF80  }
0x4d: {  	[tilespmem:s28], [sflag:$0x5] =	stream.indirect.gather [hbm4b:s4+s24], $0x80, s3, s24, $0xb8;
	[tilespmem:$0x1BE00] =	vst v63  }
0x4e: {  	_ =	swait.ge [sflag:s29], $0x80  }
0x4f: {  	[sflag:s29] =	ssyncset.done $0x0  }
0x50: {  	[sflag:s29] =	ssyncadd.s32 $0xFFFFFF80  }
0x51: {  	[tilespmem:s30], [sflag:$0x6] =	stream.indirect.gather [hbm4b:s4+s24], $0x80, s24, s24, $0xb8;
	[tilespmem:$0x1BE00] =	vst v63  }
0x52: {  	_ =	swait.ge [sflag:s31], $0x4000  }
0x53: {  	[sflag:s31] =	ssyncset.done $0x0  }
0x54: {  	[sflag:s31] =	ssyncadd.s32 $0xFFFFC000  }
0x55: {  	_ =	swait.ge [sflag:s0], $0x80  }
0x56: {  	[sflag:s0] =	ssyncset.done $0x0  }
0x57: {  	[sflag:s0] =	ssyncadd.s32 $0xFFFFFF80  }
0x58: {  	[spmem:s2] =	stream.indirect.scatter.add.f32 [tilespmem:s28], [sflag:$0x7], $0x80, s23, s24, $0xb8;
	[tilespmem:$0x1BE00] =	vst v63  }
0x59: {  	_ =	swait.ge [sflag:s22], $0x4000  }
0x5a: {  	s11 =	sadd.s32 $0xFFFFFE20, s20;
	[sflag:s22] =	ssyncset.done $0x0  }
0x5b: {  	s12 =	sadd.s32 $0x8600, s11;
	s13 =	sadd.s32 $0xFFFFFE20, s21;
	[sflag:s22] =	ssyncadd.s32 $0xFFFFC000  }
0x5c: {  	[tilespmem:s3], [sflag:$0x1] =	stream.linear.gather [hbm4b:s12+s3], $0x80, $0x38;
	[tilespmem:$0x1BE00] =	vst v63  }
0x5d: {  	s14 =	sadd.s32 $0x8600, s13  }
0x5e: {  	[tilespmem:s23], [sflag:$0x3] =	stream.linear.gather [hbm4b:s14+s3], $0x80, $0x38;
	[tilespmem:$0x1BE00] =	vst v63  }
0x5f: {  	_ =	swait.ge [sflag:s1], $0x4000  }
0x60: {  	[sflag:s1] =	ssyncset.done $0x0  }
0x61: {  	[sflag:s1] =	ssyncadd.s32 $0xFFFFC000  }
0x62: {  	_ =	swait.ge [sflag:s8], $0x80  }
0x63: {  	[sflag:s8] =	ssyncset.done $0x0  }
0x64: {  	[sflag:s8] =	ssyncadd.s32 $0xFFFFFF80  }
0x65: {  	[spmem:s2] =	stream.indirect.scatter.add.f32 [tilespmem:s30], [sflag:$0x7], $0x80, s25, s24, $0xb8;
	[tilespmem:$0x1BE00] =	vst v63  }
0x66: {  	_ =	swait.ge [sflag:s22], $0x4000  }
0x67: {  	[sflag:s22] =	ssyncset.done $0x0  }
0x68: {  	s11 =	sadd.s32 $0x8610, s11;
	[sflag:s22] =	ssyncadd.s32 $0xFFFFC000  }
0x69: {  	[tilespmem:s24], [sflag:$0x2] =	stream.linear.gather [hbm4b:s11+s3], $0x80, $0x38;
	[tilespmem:$0x1BE00] =	vst v63  }
0x6a: {  	s12 =	sadd.s32 $0x8610, s13;
	s11 =	simm.s32 $0xFFFFFE40  }
.LBB2_6:
0x6b: {  	[tilespmem:s25], [sflag:$0x4] =	stream.linear.gather [hbm4b:s12+s3], $0x80, $0x38;
	[tilespmem:$0x1BE00] =	vst v63  }
0x6c: {  	s12 =	smov.u32 s11  }
0x6d: {  	p1 =	sne.s32 s11, $0xFFFFFFE0;
	s11 =	sadd.s32 $0x20, s11;
	_ =	swait.ge [sflag:s26], $0x80  }
0x6e: {  	[sflag:s26] =	ssyncset.done $0x0  }
0x6f: {  	[sflag:s26] =	ssyncadd.s32 $0xFFFFFF80  }
0x70: {  	[tilespmem:s28], [sflag:$0x5] =	stream.indirect.gather [hbm4b:s4+s24], $0x80, s3, s24, $0xb8;
	[tilespmem:$0x1BE00] =	vst v63  }
0x71: {  	_ =	swait.ge [sflag:s29], $0x80  }
0x72: {  	[sflag:s29] =	ssyncset.done $0x0  }
0x73: {  	[sflag:s29] =	ssyncadd.s32 $0xFFFFFF80  }
0x74: {  	[tilespmem:s30], [sflag:$0x6] =	stream.indirect.gather [hbm4b:s4+s24], $0x80, s24, s24, $0xb8;
	[tilespmem:$0x1BE00] =	vst v63  }
0x75: {  	_ =	swait.ge [sflag:s31], $0x4000  }
0x76: {  	[sflag:s31] =	ssyncset.done $0x0  }
0x77: {  	[sflag:s31] =	ssyncadd.s32 $0xFFFFC000  }
0x78: {  	_ =	swait.ge [sflag:s0], $0x80  }
0x79: {  	[sflag:s0] =	ssyncset.done $0x0  }
0x7a: {  	[sflag:s0] =	ssyncadd.s32 $0xFFFFFF80  }
0x7b: {  	[spmem:s2] =	stream.indirect.scatter.add.f32 [tilespmem:s28], [sflag:$0x7], $0x80, s23, s24, $0xb8;
	[tilespmem:$0x1BE00] =	vst v63  }
0x7c: {  	_ =	swait.ge [sflag:s22], $0x4000  }
0x7d: {  	s13 =	sadd.s32 s12, s20;
	[sflag:s22] =	ssyncset.done $0x0  }
0x7e: {  	s12 =	sadd.s32 s12, s21;
	s14 =	sadd.s32 $0x8600, s13;
	[sflag:s22] =	ssyncadd.s32 $0xFFFFC000  }
0x7f: {  	[tilespmem:s3], [sflag:$0x1] =	stream.linear.gather [hbm4b:s14+s3], $0x80, $0x38;
	[tilespmem:$0x1BE00] =	vst v63  }
0x80: {  	s14 =	sadd.s32 $0x8600, s12  }
0x81: {  	[tilespmem:s23], [sflag:$0x3] =	stream.linear.gather [hbm4b:s14+s3], $0x80, $0x38;
	[tilespmem:$0x1BE00] =	vst v63  }
0x82: {  	_ =	swait.ge [sflag:s1], $0x4000  }
0x83: {  	[sflag:s1] =	ssyncset.done $0x0  }
0x84: {  	[sflag:s1] =	ssyncadd.s32 $0xFFFFC000  }
0x85: {  	_ =	swait.ge [sflag:s8], $0x80  }
0x86: {  	[sflag:s8] =	ssyncset.done $0x0  }
0x87: {  	[sflag:s8] =	ssyncadd.s32 $0xFFFFFF80  }
0x88: {  	[spmem:s2] =	stream.indirect.scatter.add.f32 [tilespmem:s30], [sflag:$0x7], $0x80, s25, s24, $0xb8;
	[tilespmem:$0x1BE00] =	vst v63  }
.Ltmp3:
0x89: {  	_ =	swait.ge [sflag:s22], $0x4000;
	(pc) =	sbr.rel @p1 .LBB2_6-.Ltmp3, $4  }
0x8a: {  	[sflag:s22] =	ssyncset.done $0x0  }
0x8b: {  	s13 =	sadd.s32 $0x8610, s13;
	[sflag:s22] =	ssyncadd.s32 $0xFFFFC000  }
0x8c: {  	[tilespmem:s24], [sflag:$0x2] =	stream.linear.gather [hbm4b:s13+s3], $0x80, $0x38;
	[tilespmem:$0x1BE00] =	vst v63  }
0x8d: {  	s12 =	sadd.s32 $0x8610, s12  }
.Ltmp4:
0x8e: {  	_ = 	snop;
	(pc) =	sbr.rel .LBB2_7-.Ltmp4, $1  }
0x8f: {  	_ =	sdelay $0x3  }
.LBB2_2:
0x90: {  	s11 =	rddreg [dreg:$0x3]  }
0x91: {  	[tilespmem:s3], [sflag:$0x1] =	stream.linear.gather [hbm4b:s11+s3], $0x80, $0x38;
	[tilespmem:$0x1BE00] =	vst v63  }
0x92: {  	s14 =	rddreg [dreg:$0x4]  }
0x93: {  	[tilespmem:s23], [sflag:$0x3] =	stream.linear.gather [hbm4b:s14+s3], $0x80, $0x38;
	[tilespmem:$0x1BE00] =	vst v63  }
0x94: {  	s12 =	rddreg [dreg:$0x5]  }
0x95: {  	[tilespmem:s24], [sflag:$0x2] =	stream.linear.gather [hbm4b:s12+s3], $0x80, $0x38;
	[tilespmem:$0x1BE00] =	vst v63  }
0x96: {  	s13 =	rddreg [dreg:$0x6]  }
0x97: {  	[tilespmem:s25], [sflag:$0x4] =	stream.linear.gather [hbm4b:s13+s3], $0x80, $0x38;
	[tilespmem:$0x1BE00] =	vst v63  }
0x98: {  	[bflag:$0x0] =	sbarrier.arrive $0xFFFF  }
0x99: {  	_ =	swait.ge [sflag:s26], $0x80  }
0x9a: {  	[sflag:s26] =	ssyncset.done $0x0  }
0x9b: {  	[sflag:s26] =	ssyncadd.s32 $0xFFFFFF80  }
0x9c: {  	[tilespmem:s28], [sflag:$0x5] =	stream.indirect.gather [hbm4b:s4+s24], $0x80, s3, s24, $0xb8;
	[tilespmem:$0x1BE00] =	vst v63  }
0x9d: {  	_ =	swait.ge [sflag:s29], $0x80  }
0x9e: {  	[sflag:s29] =	ssyncset.done $0x0  }
0x9f: {  	[sflag:s29] =	ssyncadd.s32 $0xFFFFFF80  }
0xa0: {  	[tilespmem:s30], [sflag:$0x6] =	stream.indirect.gather [hbm4b:s4+s24], $0x80, s24, s24, $0xb8;
	[tilespmem:$0x1BE00] =	vst v63  }
0xa1: {  	_ =	swait.ge [sflag:s31], $0x4000  }
0xa2: {  	[sflag:s31] =	ssyncset.done $0x0  }
0xa3: {  	[sflag:s31] =	ssyncadd.s32 $0xFFFFC000  }
0xa4: {  	_ =	swait.ge [sflag:s0], $0x80  }
0xa5: {  	[sflag:s0] =	ssyncset.done $0x0  }
0xa6: {  	[sflag:s0] =	ssyncadd.s32 $0xFFFFFF80  }
0xa7: {  	[spmem:s2] =	stream.indirect.scatter.add.f32 [tilespmem:s28], [sflag:$0x7], $0x80, s23, s24, $0xb8;
	[tilespmem:$0x1BE00] =	vst v63  }
0xa8: {  	_ =	swait.ge [sflag:s22], $0x4000  }
0xa9: {  	s11 =	sadd.s32 $0xFFFFF7E0, s18;
	[sflag:s22] =	ssyncset.done $0x0  }
0xaa: {  	s12 =	sadd.s32 $0x840, s11;
	s13 =	sadd.s32 $0xFFFFF7E0, s19;
	[sflag:s22] =	ssyncadd.s32 $0xFFFFC000  }
0xab: {  	[tilespmem:s3], [sflag:$0x1] =	stream.linear.gather [hbm4b:s12+s3], $0x80, $0x38;
	[tilespmem:$0x1BE00] =	vst v63  }
0xac: {  	s14 =	sadd.s32 $0x840, s13  }
0xad: {  	[tilespmem:s23], [sflag:$0x3] =	stream.linear.gather [hbm4b:s14+s3], $0x80, $0x38;
	[tilespmem:$0x1BE00] =	vst v63  }
0xae: {  	_ =	swait.ge [sflag:s1], $0x4000  }
0xaf: {  	[sflag:s1] =	ssyncset.done $0x0  }
0xb0: {  	[sflag:s1] =	ssyncadd.s32 $0xFFFFC000  }
0xb1: {  	_ =	swait.ge [sflag:s8], $0x80  }
0xb2: {  	[sflag:s8] =	ssyncset.done $0x0  }
0xb3: {  	[sflag:s8] =	ssyncadd.s32 $0xFFFFFF80  }
0xb4: {  	[spmem:s2] =	stream.indirect.scatter.add.f32 [tilespmem:s30], [sflag:$0x7], $0x80, s25, s24, $0xb8;
	[tilespmem:$0x1BE00] =	vst v63  }
0xb5: {  	_ =	swait.ge [sflag:s22], $0x4000  }
0xb6: {  	[sflag:s22] =	ssyncset.done $0x0  }
0xb7: {  	s11 =	sadd.s32 $0x850, s11;
	[sflag:s22] =	ssyncadd.s32 $0xFFFFC000  }
0xb8: {  	[tilespmem:s24], [sflag:$0x2] =	stream.linear.gather [hbm4b:s11+s3], $0x80, $0x38;
	[tilespmem:$0x1BE00] =	vst v63  }
0xb9: {  	s12 =	sadd.s32 $0x850, s13;
	s11 =	simm.s32 $0xFFFFF800  }
.LBB2_3:
0xba: {  	[tilespmem:s25], [sflag:$0x4] =	stream.linear.gather [hbm4b:s12+s3], $0x80, $0x38;
	[tilespmem:$0x1BE00] =	vst v63  }
0xbb: {  	s12 =	smov.u32 s11  }
0xbc: {  	p1 =	seq.s32 s11, $0xFFFFFFE0;
	s11 =	sadd.s32 $0x20, s11;
	_ =	swait.ge [sflag:s26], $0x80  }
0xbd: {  	[sflag:s26] =	ssyncset.done $0x0  }
0xbe: {  	[sflag:s26] =	ssyncadd.s32 $0xFFFFFF80  }
0xbf: {  	[tilespmem:s28], [sflag:$0x5] =	stream.indirect.gather [hbm4b:s4+s24], $0x80, s3, s24, $0xb8;
	[tilespmem:$0x1BE00] =	vst v63  }
0xc0: {  	_ =	swait.ge [sflag:s29], $0x80  }
0xc1: {  	[sflag:s29] =	ssyncset.done $0x0  }
0xc2: {  	[sflag:s29] =	ssyncadd.s32 $0xFFFFFF80  }
0xc3: {  	[tilespmem:s30], [sflag:$0x6] =	stream.indirect.gather [hbm4b:s4+s24], $0x80, s24, s24, $0xb8;
	[tilespmem:$0x1BE00] =	vst v63  }
0xc4: {  	_ =	swait.ge [sflag:s31], $0x4000  }
0xc5: {  	[sflag:s31] =	ssyncset.done $0x0  }
0xc6: {  	[sflag:s31] =	ssyncadd.s32 $0xFFFFC000  }
0xc7: {  	_ =	swait.ge [sflag:s0], $0x80  }
0xc8: {  	[sflag:s0] =	ssyncset.done $0x0  }
0xc9: {  	[sflag:s0] =	ssyncadd.s32 $0xFFFFFF80  }
0xca: {  	[spmem:s2] =	stream.indirect.scatter.add.f32 [tilespmem:s28], [sflag:$0x7], $0x80, s23, s24, $0xb8;
	[tilespmem:$0x1BE00] =	vst v63  }
0xcb: {  	_ =	swait.ge [sflag:s22], $0x4000  }
0xcc: {  	s13 =	sadd.s32 s12, s18;
	[sflag:s22] =	ssyncset.done $0x0  }
0xcd: {  	s12 =	sadd.s32 s12, s19;
	s14 =	sadd.s32 $0x840, s13;
	[sflag:s22] =	ssyncadd.s32 $0xFFFFC000  }
0xce: {  	[tilespmem:s3], [sflag:$0x1] =	stream.linear.gather [hbm4b:s14+s3], $0x80, $0x38;
	[tilespmem:$0x1BE00] =	vst v63  }
0xcf: {  	s14 =	sadd.s32 $0x840, s12  }
0xd0: {  	[tilespmem:s23], [sflag:$0x3] =	stream.linear.gather [hbm4b:s14+s3], $0x80, $0x38;
	[tilespmem:$0x1BE00] =	vst v63  }
0xd1: {  	_ =	swait.ge [sflag:s1], $0x4000  }
0xd2: {  	[sflag:s1] =	ssyncset.done $0x0  }
0xd3: {  	[sflag:s1] =	ssyncadd.s32 $0xFFFFC000  }
0xd4: {  	_ =	swait.ge [sflag:s8], $0x80  }
0xd5: {  	[sflag:s8] =	ssyncset.done $0x0  }
0xd6: {  	[sflag:s8] =	ssyncadd.s32 $0xFFFFFF80  }
0xd7: {  	[spmem:s2] =	stream.indirect.scatter.add.f32 [tilespmem:s30], [sflag:$0x7], $0x80, s25, s24, $0xb8;
	[tilespmem:$0x1BE00] =	vst v63  }
.Ltmp5:
0xd8: {  	_ =	swait.ge [sflag:s22], $0x4000;
	(pc) =	sbr.rel @!p1 .LBB2_3-.Ltmp5, $4  }
0xd9: {  	[sflag:s22] =	ssyncset.done $0x0  }
0xda: {  	s13 =	sadd.s32 $0x850, s13;
	[sflag:s22] =	ssyncadd.s32 $0xFFFFC000  }
0xdb: {  	[tilespmem:s24], [sflag:$0x2] =	stream.linear.gather [hbm4b:s13+s3], $0x80, $0x38;
	[tilespmem:$0x1BE00] =	vst v63  }
0xdc: {  	s12 =	sadd.s32 $0x850, s12  }
.Ltmp6:
0xdd: {  	(pc) =	sbr.rel .LBB2_8-.Ltmp6, $2  }
0xde: {  	_ =	sdelay $0x2  }
0xdf: {  	[tilespmem:s25], [sflag:$0x4] =	stream.linear.gather [hbm4b:s12+s3], $0x80, $0x38;
	[tilespmem:$0x1BE00] =	vst v63  }
.LBB2_9:
0xe0: {  	_ =	sfence.sel $0x180000  }
0xe1: {  	[bflag:$0x0] =	sbarrier.arrive $0xFFFF  }
0xe2: {  	_ =	strace $0x9000004D  }
0xe3: {  	s0 =	stileid.u32;
	[bflag:$0x2] =	sbarrier.arrive $0xFFFF  }
0xe4: {  	p0 =	sne.s32 s0, $0x0;
	s0 =	rddreg [dreg:$0x2]  }
0xe5: {  	s0 =	sadd.s32 @!p0 $0x100000, s0  }
0xe6: {  	[sflag:s0] =	ssyncadd.tile.s32 @!p0 $0x1;
	_ =	shalt  }
.Lfunc_end2:
_tile_overlayer_lowered:
.L_overlay_start_2:
0xe7: {  	(tag) =	ssettag $0x2  }
0xe8: {  	s0 =	rddreg [dreg:$0x0];
	s2 =	stileid.u32  }
0xe9: {  	s1 =	rddreg [dreg:$0x1];
	p0 =	sne.s32 s2, $0x0  }
0xea: {  	s3 =	rddreg [dreg:$0x2];
	[bflag:$0x3] =	sbarrier.arrive $0xFFFF;
	s2 =	simm.s32 @!p0 $0x1C07  }
0xeb: {  	[timem:s3], [sflag:s2] =	dma.local @!p0 [hbm:s0], s1  }
0xec: {  	s0 =	simm.s32 @!p0 $0x7  }
0xed: {  	_ =	swait.ge @!p0 [sflag:s0], s1  }
0xee: {  	s1 =	ssub.s32 @!p0 $0x0, s1;
	[sflag:s0] =	ssyncset.done @!p0 $0x0  }
0xef: {  	[sflag:s0] =	ssyncadd.s32 @!p0 s1  }
0xf0: {  	[bflag:$0x3] =	sbarrier.arrive $0xFFFF  }
0xf1: {  	_ =	shalt  }

// kernel: kernel.8.cloned.1.call-start
scs
__scs_entry_jumppad:
0x0: {  	(pc) =	sbr.rel $0x88, $3  }
0x1: {  	(tag) =	ssettag $0x0;
	lr =	simm.s32 $0x1  }
0x2: {  	[smem:$0x3F9B] =	sst lr;
	_ =	strace $0xD0000000  }
0x3: {  	_ = 	snop  }
0x4: {  	_ = 	snop  }
0x5: {  	_ = 	snop  }
0x6: {  	_ = 	snop  }
0x7: {  	_ = 	snop  }
__scs_overlays_trampoline_lowered:
0x8: {  	[smem:$0x3FAA] =	sst s0  }
0x9: {  	[smem:$0x3FAB] =	sst s1  }
0xa: {  	[smem:$0x3FAC] =	sst s2  }
0xb: {  	[smem:$0x3FAD] =	sst s3  }
0xc: {  	[smem:$0x3FAE] =	sst s4  }
0xd: {  	[smem:$0x3FAF] =	sst s5  }
0xe: {  	[smem:$0x3FB0] =	sst s6  }
0xf: {  	[smem:$0x3FB1] =	sst s7  }
0x10: {  	[smem:$0x3FB2] =	sst s8  }
0x11: {  	[smem:$0x3FB3] =	sst s9;
	s0 =	simm.s32 @!p0 $0x0  }
0x12: {  	s1 =	sld [smem:$0x3F99];
	s0 =	simm.s32 @p0 $0x1  }
0x13: {  	[smem:$0x3FB4] =	sst s0;
	s0 =	simm.s32 @!p1 $0x0  }
0x14: {  	s2 =	sld [smem:$0x3F98];
	s0 =	simm.s32 @p1 $0x1  }
0x15: {  	[smem:$0x3FB5] =	sst s0;
	s0 =	simm.s32 @!p2 $0x0  }
0x16: {  	s3 =	sld [smem:$0x3FDB];
	s0 =	simm.s32 @p2 $0x1  }
0x17: {  	s4 =	simm.s32 $0x1BF5;
	[smem:$0x3FB7] =	sst s0  }
0x18: {  	s0 =	sld [smem:$0x3F9A];
	_ =	swait.ge [sflag:s4], $0x0  }
0x19: {  	s7 =	sld [smem:$0x3F9B]  }
0x1a: {  	s8 =	sadd.s32 $0xFFFFE003, lr  }
0x1b: {  	s9 =	sadd.s32 $0xFFFFFEF7, lr;
	s5 =	simm.s32 $0xFFFFFFFF;
	p2 =	slt.u32 s8, $0xFFFFF086  }
0x1c: {  	p1 =	slt.u32 s9, $0xF7A;
	s5 =	simm.s32 @!p2 $0x0  }
0x1d: {  	s5 =	simm.s32 @p1 $0x1;
	p0 =	seq.s32 s7, s2  }
0x1e: {  	s7 =	smul.u32 @!p0 $0xF7A, s2;
	p2 =	seq.s32 @!p0 s5, $0x0  }
0x1f: {  	s9 =	smul.u32 $0xF7A, s1;
	s8 =	simm.s32 @!p0 $0x1BF5;
	p2 =	por !p2, p0  }
0x20: {  	[sflag:s8] =	ssyncset.s32 @!p0 $0xFFFFF086;
	s6 =	sadd.s32 @!p0 s3, s7;
	s7 =	simm.s32 @!p0 $0x108  }
0x21: {  	s3 =	sadd.s32 s3, s9;
	s6 =	sadd.s32 @!p0 $0x88, s6;
	s7 =	simm.s32 @p2 $0x1082  }
0x22: {  	[simem:s7], [sflag:s8] =	dma.local @!p0 [hbm:s6], $0xF7A  }
0x23: {  	s9 =	sor.u32 $0xD0000000, s2;
	s6 =	simm.s32 $0x108;
	_ =	swait.ge @!p0 [sflag:s8], $0x0  }
0x24: {  	s3 =	sadd.s32 $0x88, s3;
	s6 =	simm.s32 @!p1 $0x1082;
	[sflag:s4] =	ssyncset.s32 $0xFFFFF086  }
0x25: {  	[simem:s6], [sflag:s4] =	dma.local [hbm:s3], $0xF7A  }
0x26: {  	[smem:$0x3F9B] =	sst s1;
	(tag) =	ssettag s2;
	_ =	strace s9  }
0x27: {  	s1 =	sld [smem:$0x3FAB]  }
0x28: {  	s2 =	sld [smem:$0x3FAC]  }
0x29: {  	s4 =	sld [smem:$0x3FAE]  }
0x2a: {  	p0 =	seq.s32 s5, $0x0;
	s5 =	sld [smem:$0x3FAF]  }
0x2b: {  	s6 =	sld [smem:$0x3FB0]  }
0x2c: {  	s7 =	sld [smem:$0x3FB1]  }
0x2d: {  	s3 =	simm.s32 $0x108;
	s8 =	sld [smem:$0x3FB2]  }
0x2e: {  	s3 =	simm.s32 @!p0 $0x1082;
	s9 =	sld [smem:$0x3FB3]  }
0x2f: {  	lr =	sadd.s32 s0, s3;
	s0 =	sld [smem:$0x3FAA]  }
0x30: {  	s3 =	sld [smem:$0x3FAD]  }
0x31: {  	[smem:$0x3FB6] =	sst s10  }
0x32: {  	s10 =	sld [smem:$0x3FB4];
	_ =	sdelay $0x3  }
0x33: {  	p0 =	seq.s32 s10, $0x1;
	s10 =	sld [smem:$0x3FB6];
	_ =	sdelay $0x3  }
0x34: {  	[smem:$0x3FB6] =	sst s10  }
0x35: {  	s10 =	sld [smem:$0x3FB5];
	_ =	sdelay $0x3  }
0x36: {  	p1 =	seq.s32 s10, $0x1;
	s10 =	sld [smem:$0x3FB6];
	_ =	sdelay $0x3  }
0x37: {  	[smem:$0x3FB6] =	sst s10  }
0x38: {  	s10 =	sld [smem:$0x3FB7]  }
0x39: {  	_ = 	snop;
	(pc) =	sbr.ind lr, $3  }
0x3a: {  	_ = 	snop  }
0x3b: {  	_ = 	snop  }
0x3c: {  	p2 =	seq.s32 s10, $0x1;
	s10 =	sld [smem:$0x3FB6]  }
0x3d: {  	_ =	shalt  }
0x3e: {  	_ =	shalt  }
0x3f: {  	_ =	shalt  }
0x40: {  	_ =	shalt  }
0x41: {  	_ =	shalt  }
0x42: {  	_ =	shalt  }
0x43: {  	_ =	shalt  }
0x44: {  	_ =	shalt  }
0x45: {  	_ =	shalt  }
0x46: {  	_ =	shalt  }
0x47: {  	_ =	shalt  }
0x48: {  	_ =	shalt  }
0x49: {  	_ =	shalt  }
0x4a: {  	_ =	shalt  }
0x4b: {  	_ =	shalt  }
0x4c: {  	_ =	shalt  }
0x4d: {  	_ =	shalt  }
0x4e: {  	_ =	shalt  }
0x4f: {  	_ =	shalt  }
0x50: {  	_ =	shalt  }
0x51: {  	_ =	shalt  }
0x52: {  	_ =	shalt  }
0x53: {  	_ =	shalt  }
0x54: {  	_ =	shalt  }
0x55: {  	_ =	shalt  }
0x56: {  	_ =	shalt  }
0x57: {  	_ =	shalt  }
0x58: {  	_ =	shalt  }
0x59: {  	_ =	shalt  }
0x5a: {  	_ =	shalt  }
0x5b: {  	_ =	shalt  }
0x5c: {  	_ =	shalt  }
0x5d: {  	_ =	shalt  }
0x5e: {  	_ =	shalt  }
0x5f: {  	_ =	shalt  }
0x60: {  	_ =	shalt  }
0x61: {  	_ =	shalt  }
0x62: {  	_ =	shalt  }
0x63: {  	_ =	shalt  }
0x64: {  	_ =	shalt  }
0x65: {  	_ =	shalt  }
0x66: {  	_ =	shalt  }
0x67: {  	_ =	shalt  }
0x68: {  	_ =	shalt  }
0x69: {  	_ =	shalt  }
0x6a: {  	_ =	shalt  }
0x6b: {  	_ =	shalt  }
0x6c: {  	_ =	shalt  }
0x6d: {  	_ =	shalt  }
0x6e: {  	_ =	shalt  }
0x6f: {  	_ =	shalt  }
0x70: {  	_ =	shalt  }
0x71: {  	_ =	shalt  }
0x72: {  	_ =	shalt  }
0x73: {  	_ =	shalt  }
0x74: {  	_ =	shalt  }
0x75: {  	_ =	shalt  }
0x76: {  	_ =	shalt  }
0x77: {  	_ =	shalt  }
0x78: {  	_ =	shalt  }
0x79: {  	_ =	shalt  }
0x7a: {  	_ =	shalt  }
0x7b: {  	_ =	shalt  }
0x7c: {  	_ =	shalt  }
0x7d: {  	_ =	shalt  }
0x7e: {  	_ =	shalt  }
0x7f: {  	_ =	shalt  }
0x80: {  	_ =	shalt  }
0x81: {  	_ =	shalt  }
0x82: {  	_ =	shalt  }
0x83: {  	_ =	shalt  }
0x84: {  	_ =	shalt  }
0x85: {  	_ =	shalt  }
0x86: {  	_ =	shalt  }
0x87: {  	_ =	shalt  }
.Lfunc_end0:
.L_simem_size_0:
called_computation_lowered:
.L_overlay_start_0:
0x88: {  	s2 =	sld [smem:$0x3FD9]  }
0x89: {  	s3 =	sld [smem:$0x3FFE];
	_ =	sdelay $0x1  }
0x8a: {  	s1 =	srdreg.scid  }
0x8b: {  	s0 =	sand.u32 $0x1, s1  }
0x8c: {  	s17 =	sshll.u32 s0, $0xA;
	s2 =	sadd.s32 s3, s2  }
0x8d: {  	s2 =	sadd.s32 s2, s17  }
0x8e: {  	[smem:$0x3FC2] =	sst s2  }
0x8f: {  	_ = 	snop  }
0x90: {  	s2 =	sld [smem:$0x3FD0];
	(tm) =	ssettm $0x1  }
0x91: {  	s18 =	sld [smem:$0x3FFB];
	_ =	sdelay $0x3  }
0x92: {  	_ =	strace s18  }
0x93: {  	s3 =	sld [smem:$0x3FFC];
	_ =	sdelay $0x3  }
0x94: {  	_ =	strace s3  }
0x95: {  	s3 =	sld [smem:$0x3FFD];
	_ =	sdelay $0x3  }
0x96: {  	_ =	strace s3  }
0x97: {  	_ =	strace $0x8FFFFFFF  }
0x98: {  	s19 =	sld [smem:$0x3FDB];
	_ =	sdelay $0x1  }
0x99: {  	s4 =	simm.s32 $_scs_section_size  }
0x9a: {  	s5 =	simm.s32 $_size__tile_overlayer_lowered;
	s6 =	simm.s32 $_tile_overlayer_lowered  }
0x9b: {  	s22 =	simm.s32 $0x1BFF;
	s21 =	sshll.u32 s6, $0x1;
	s3 =	sadd.s32 s4, s19  }
0x9c: {  	s7 =	simm.s32 $0x0;
	s20 =	sshll.u32 s5, $0x1;
	s5 =	sadd.s32 s21, s3  }
0x9d: {  	[timem:s7], [sflag:s22] =	dma.local [hbm:s5], s20  }
0x9e: {  	_ =	swait.ge [sflag:s22], s20  }
0x9f: {  	s4 =	ssub.s32 $0x0, s20;
	[sflag:s22] =	ssyncset.done $0x0  }
0xa0: {  	[sflag:s22] =	ssyncadd.s32 s4;
	_ =	sdelay $0x1  }
0xa1: {  	s23 =	simm.s32 $0x1B8B  }
0xa2: {  	_ =	swait.ge [sflag:s23], $0x1  }
0xa3: {  	[sflag:s23] =	ssyncset.done $0x0  }
0xa4: {  	s25 =	simm.s32 $0x1B8E;
	s24 =	sld [smem:$0x3FFE];
	[sflag:s23] =	ssyncadd.s32 $0xFFFFFFFF  }
0xa5: {  	s26 =	simm.s32 $execute0_lowered;
	[smem:$0x3FD2] =	sst s25  }
0xa6: {  	s5 =	sshll.u32 s26, $0x1;
	_ =	strace $0x80000046;
	[dreg:$0x1] =	wrdreg $0xFFFFFFFF  }
0xa7: {  	s28 =	simm.s32 $_size_execute0_lowered;
	s3 =	sadd.s32 s3, s5;
	[dreg:$0x0] =	wrdreg $0x0  }
0xa8: {  	s5 =	sshll.u32 s28, $0x1;
	[dreg:$0x2] =	wrdreg s3  }
0xa9: {  	[dreg:$0x3] =	wrdreg s5  }
0xaa: {  	[dreg:$0x4] =	wrdreg $0xC0  }
0xab: {  	_ =	task [dreg:s7], $0x5FFFF  }
0xac: {  	[dreg:$0x1] =	wrdreg $0xFFFFFFFF  }
0xad: {  	[dreg:$0x0] =	wrdreg $0x60  }
0xae: {  	[dreg:$0x2] =	wrdreg s2  }
0xaf: {  	[dreg:$0x3] =	wrdreg s24  }
0xb0: {  	[dreg:$0x4] =	wrdreg $0x6C000  }
0xb1: {  	[dreg:$0x5] =	wrdreg $0x9  }
0xb2: {  	_ =	task.clear_ibuf [dreg:s7], $0x6FFFF;
	_ =	strace $0x90000046  }
0xb3: {  	s29 =	simm.s32 $0x9;
	_ =	strace $0x80000048  }
0xb4: {  	_ =	swait.ge [sflag:s29], $0x1  }
0xb5: {  	[sflag:s29] =	ssyncadd.s32 $0xFFFFFFFF  }
0xb6: {  	_ =	strace $0x90000048  }
0xb7: {  	_ =	sfence  }
0xb8: {  	s30 =	sld [smem:$0x0];
	_ =	sdelay $0x2  }
0xb9: {  	s31 =	sshll.u32 s1, $0xD;
	s1 =	sshrl.u32 s1, $0x2  }
0xba: {  	s3 =	sand.u32 $0x4000, s31;
	s1 =	sadd.s32 s1, s30  }
0xbb: {  	s0 =	sor.u32 s3, s0;
	s1 =	sshll.u32 s1, $0x11  }
0xbc: {  	s0 =	sor.u32 s1, s0  }
0xbd: {  	s0 =	sadd.s32 $0x8F2B, s0  }
0xbe: {  	[sflag:s0] =	ssyncadd.remote.s32 $0x1  }
0xbf: {  	_ =	sfence.sel $0xFFFF  }
0xc0: {  	[dreg:$0x0] =	wrdreg $0xFFFFFFFF;
	(pc) =	sbr.abs _section_cstart, $3  }
0xc1: {  	[dreg:$0x1] =	wrdreg $0xFFFFFFFF  }
0xc2: {  	_ =	task.clear_ibuf [dreg:s7], $0x2FFFF;
	_ =	strace $0x9FFFFFFF  }
0xc3: {  	(tm) =	ssettm $0x7FFFFFFF  }
tec
execute0_lowered:
.L_overlay_start_1:
0x0: {  	(tag) =	ssettag $0x1  }
0x1: {  	s5 =	rddreg [dreg:$0x0]  }
0x2: {  	s6 =	rddreg [dreg:$0x1]  }
0x3: {  	s2 =	rddreg [dreg:$0x2]  }
0x4: {  	s0 =	rddreg [dreg:$0x3];
	s1 =	stileid.u32  }
0x5: {  	s4 =	srdreg.scid;
	s3 =	simm.s32 $0x0;
	s13 =	simm.s32 $0x80  }
0x6: {  	s14 =	simm.s32 $0x0;
	s7 =	smul.u32 $0x13C00, s1;
	s8 =	sand.u32 $0x1, s4  }
0x7: {  	[smem:$0x7FF] =	sst s3;
	s4 =	sadd.s32 $0xC200, s6;
	s28 =	smul.u32 $0x4F000, s1  }
0x8: {  	s26 =	sshll.u32 s1, $0x1;
	s31 =	sshll.u32 s1, $0x6;
	s9 =	smul.u32 $0x13C000, s8  }
0x9: {  	_ =	strace $0x80000047;
	s11 =	ssub.s32 $0x2, s8;
	s8 =	sor.u32 s8, s26  }
0xa: {  	s10 =	sshrl.u32 s7, $0x3;
	s12 =	sshrl.u32 s11, $0x1;
	s8 =	smul.u32 $0x580, s8  }
0xb: {  	s29 =	sshrl.u32 s28, $0x2;
	s10 =	sadd.s32 s10, s6;
	s7 =	sadd.s32 s7, s9  }
0xc: {  	s11 =	ssub.s32 s11, s12;
	s30 =	sadd.s32 s29, s2;
	s9 =	simm.s32 $0x1  }
0xd: {  	s7 =	sshrl.u32 s7, $0x3;
	s5 =	sadd.s32 s5, s8;
	s8 =	smax.u32 s11, $0x1  }
0xe: {  	s11 =	sor.u32 $0x1C01, s31;
	s12 =	sshrl.u32 s30, $0x3;
	s7 =	sadd.s32 s7, s6  }
0xf: {  	s6 =	sadd.s32 $0xCA00, s10;
	s10 =	simm.s32 $0x2C00;
	s7 =	sadd.s32 $0x34200, s7  }
.LBB2_1:
0x10: {  	[tilespmem:s3], [sflag:$0x1] =	stream.linear.gather [hbm4b:s5+s3], $0x2900, $0x38;
	[tilespmem:$0x1A800] =	vst v63  }
0x11: {  	_ =	swait.ge [sflag:s9], $0x2900  }
0x12: {  	[sflag:s9] =	ssyncset.done $0x0  }
0x13: {  	[sflag:s9] =	ssyncadd.s32 $0xFFFFD700  }
0x14: {  	[tilespmem:s10], [sflag:$0x1] =	stream.linear.gather [hbm4b:s4+s3], $0x4000, $0x38;
	[tilespmem:$0x1A800] =	vst v63  }
0x15: {  	_ =	swait.ge [sflag:s9], $0x4000  }
0x16: {  	[sflag:s9] =	ssyncset.done $0x0  }
0x17: {  	[sflag:s9] =	ssyncadd.s32 $0xFFFFC000  }
0x18: {  	[spmem:s12], [sflag:s11] =	dma.local [hbm:s6], $0x2780  }
0x19: {  	_ =	swait.ge [sflag:s9], $0x2780  }
0x1a: {  	[sflag:s9] =	ssyncset.done $0x0  }
0x1b: {  	[sflag:s9] =	ssyncadd.s32 $0xFFFFD880  }
0x1c: {  	s15 =	simm.s32 $0x0;
	[bflag:$0x0] =	sbarrier.arrive $0xFFFF  }
0x1d: {  	[spmem:s2] =	stream.indirect.scatter.add.f32 [tilespmem:s10], [sflag:$0x1], $0x80, s15, s13, $0xb8;
	[tilespmem:$0x1A800] =	vst v63  }
0x1e: {  	_ =	swait.ge [sflag:s9], $0x4000  }
0x1f: {  	s15 =	simm.s32 $0x200;
	[sflag:s9] =	ssyncset.done $0x0  }
.LBB2_2:
0x20: {  	s16 =	sshra.s32 s15, $0x2;
	[sflag:s9] =	ssyncadd.s32 $0xFFFFC000;
	p0 =	sne.s32 s15, $0xA200  }
0x21: {  	[spmem:s2] =	stream.indirect.scatter.add.f32 [tilespmem:s10], [sflag:$0x1], $0x80, s16, s13, $0xb8;
	[tilespmem:$0x1A800] =	vst v63  }
.Ltmp0:
0x22: {  	_ = 	snop;
	(pc) =	sbr.rel @p0 .LBB2_2-.Ltmp0, $4  }
0x23: {  	_ = 	snop  }
0x24: {  	s15 =	sadd.s32 $0x200, s15  }
0x25: {  	_ =	swait.ge [sflag:s9], $0x4000  }
0x26: {  	[sflag:s9] =	ssyncset.done $0x0  }
0x27: {  	s14 =	sadd.s32 $0x1, s14  }
0x28: {  	[sflag:s9] =	ssyncadd.s32 $0xFFFFC000;
	p0 =	sne.s32 s14, s8  }
.Ltmp1:
0x29: {  	[bflag:$0x0] =	sbarrier.arrive $0xFFFF;
	(pc) =	sbr.rel @p0 .LBB2_1-.Ltmp1, $4  }
0x2a: {  	[hbm:s7], [sflag:s11] =	dma.local [spmem:s12], $0x2780  }
0x2b: {  	_ =	swait.ge [sflag:s9], $0x2780  }
0x2c: {  	[sflag:s9] =	ssyncset.done $0x0  }
0x2d: {  	[sflag:s9] =	ssyncadd.s32 $0xFFFFD880  }
0x2e: {  	_ =	sfence.sel $0x180000  }
0x2f: {  	[bflag:$0x0] =	sbarrier.arrive $0xFFFF  }
0x30: {  	p0 =	sne.s32 s1, $0x0;
	_ =	strace $0x90000047  }
0x31: {  	s0 =	sadd.s32 @!p0 $0x100000, s0;
	[bflag:$0x2] =	sbarrier.arrive $0xFFFF  }
0x32: {  	[sflag:s0] =	ssyncadd.tile.s32 @!p0 $0x1;
	_ =	shalt  }
.Lfunc_end2:
_tile_overlayer_lowered:
.L_overlay_start_2:
0x33: {  	(tag) =	ssettag $0x2  }
0x34: {  	s0 =	rddreg [dreg:$0x0];
	s2 =	stileid.u32  }
0x35: {  	s1 =	rddreg [dreg:$0x1];
	p0 =	sne.s32 s2, $0x0  }
0x36: {  	s3 =	rddreg [dreg:$0x2];
	[bflag:$0x3] =	sbarrier.arrive $0xFFFF;
	s2 =	simm.s32 @!p0 $0x1C01  }
0x37: {  	[timem:s3], [sflag:s2] =	dma.local @!p0 [hbm:s0], s1  }
0x38: {  	s0 =	simm.s32 @!p0 $0x1  }
0x39: {  	_ =	swait.ge @!p0 [sflag:s0], s1  }
0x3a: {  	s1 =	ssub.s32 @!p0 $0x0, s1;
	[sflag:s0] =	ssyncset.done @!p0 $0x0  }
0x3b: {  	[sflag:s0] =	ssyncadd.s32 @!p0 s1  }
0x3c: {  	[bflag:$0x3] =	sbarrier.arrive $0xFFFF  }
0x3d: {  	_ =	shalt  }

</sc_bundles>
